<compile_context>
chip_gen: v7x
topology: tpu7x:2x2x1
jax: 0.10.2.dev20260603
libtpu: 0.0.44.dev20260713+nightly
codegen_flags: <defaults>
</compile_context>

<pallas_src>
import functools
import math

import jax
import jax.numpy as jnp
from jax import lax
from jax.experimental import pallas as pl
from jax.experimental.pallas import tpu as pltpu
from jax.experimental.pallas import tpu_sc as plsc

D_MODEL = 128
BATCH = 4
SEQ_LEN = 2048
TOTAL = BATCH * SEQ_LEN

NUM_CORES = 2
NUM_SUBCORES = 16
NUM_WORKERS = NUM_CORES * NUM_SUBCORES
LANES = 16

B_PER_W = TOTAL // NUM_WORKERS
CHUNK_SIZES = (128, 128)
CHUNK_OFFS = (0, 128)
N_CHUNKS = len(CHUNK_SIZES)
IDX_MINOR = 128

SCALE = math.sqrt(float(D_MODEL))

_mesh = plsc.VectorSubcoreMesh(core_axis_name="c", subcore_axis_name="s")


@functools.partial(
    pl.kernel,
    mesh=_mesh,
    out_type=jax.ShapeDtypeStruct((TOTAL, D_MODEL), jnp.float32),
    scratch_types=[
        pltpu.VMEM((B_PER_W // IDX_MINOR, IDX_MINOR), jnp.int32),
        pltpu.VMEM((B_PER_W, D_MODEL), jnp.float32),
    ]
    + [pltpu.SemaphoreType.DMA] * (3 * N_CHUNKS),
)
def _emb_lookup(idx_hbm, table_hbm, out_hbm, idx_v, rows_v, *sems):
    g_sems = sems[:N_CHUNKS]
    w_sems = sems[N_CHUNKS : 2 * N_CHUNKS]
    i_sems = sems[2 * N_CHUNKS :]
    wid = lax.axis_index("s") * NUM_CORES + lax.axis_index("c")
    base = wid * B_PER_W
    n_groups = B_PER_W // IDX_MINOR

    idx_copies = [
        pltpu.async_copy(
            idx_hbm.at[pl.ds(wid * n_groups + j, 1)],
            idx_v.at[pl.ds(j, 1)],
            i_sems[j],
        )
        for j in range(N_CHUNKS)
    ]
    gathers = []
    for j in range(N_CHUNKS):
        idx_copies[j].wait()
        gathers.append(
            pltpu.async_copy(
                table_hbm.at[idx_v.at[j]],
                rows_v.at[pl.ds(CHUNK_OFFS[j], CHUNK_SIZES[j])],
                g_sems[j],
            )
        )

    writes = []
    k = 0
    for j in range(N_CHUNKS):
        for _ in range(CHUNK_SIZES[j] // IDX_MINOR):
            gathers[k].wait()
            k += 1

        def scale_rows(r, carry, j=j):
            row = CHUNK_OFFS[j] + r
            for c in range(D_MODEL // LANES):
                sl = pl.ds(c * LANES, LANES)
                rows_v[row, sl] = rows_v[row, sl] * SCALE
            return carry

        lax.fori_loop(0, CHUNK_SIZES[j], scale_rows, 0, unroll=4)

        writes.append(
            pltpu.async_copy(
                rows_v.at[pl.ds(CHUNK_OFFS[j], CHUNK_SIZES[j])],
                out_hbm.at[pl.ds(base + CHUNK_OFFS[j], CHUNK_SIZES[j])],
                w_sems[j],
            )
        )
    for w in writes:
        w.wait()


def kernel(indices, table):
    idx = indices.astype(jnp.int32).reshape(-1, IDX_MINOR)
    out = _emb_lookup(idx, table)
    return out.reshape(indices.shape + (D_MODEL,))

# --- scband reference (transcript-rebuilt; emitter-appended) ---
"""Pipeline reference for scband-input-embeddings-17798344474624 (READ-ONLY COPY).

The authoritative reference and input builder live on the scoring server;
editing this copy changes nothing except your own understanding.
"""

import jax, jax.numpy as jnp
import numpy as np

D_MODEL = 128
VOCAB_SIZE = 1000000
BATCH = 4
SEQ_LEN = 2048


def setup_inputs(seed: int = 0) -> dict:
    key = jax.random.key(seed)
    k_idx, k_tab = jax.random.split(key)
    indices = jax.random.randint(k_idx, (BATCH, SEQ_LEN), 0, VOCAB_SIZE, dtype=jnp.int64 if jax.config.jax_enable_x64 else jnp.int32)
    table = jax.random.normal(k_tab, (VOCAB_SIZE, D_MODEL), dtype=jnp.float32)
    return {"indices": indices, "table": table}


def reference(indices, table):
    # InputEmbeddings.forward: embedding(x) * sqrt(d_model)
    emb = jnp.take(table, indices, axis=0)
    return emb * jnp.sqrt(jnp.float32(D_MODEL))

if __name__ == "__main__":
    import jax
    _d = setup_inputs()
    print(jax.jit(kernel)(*tuple(_d.values())))

</pallas_src>

<mosaic_0001>
#map = affine_map<(d0, d1) -> (0, 0)>
module attributes {stable_mosaic.version = 14 : i64} {
  func.func @_emb_lookup(%arg0: i32, %arg1: i32, %arg2: memref<64x128xi32, #tpu.memory_space<hbm>>, %arg3: memref<1000000x128xf32, #tpu.memory_space<hbm>>, %arg4: memref<8192x128xf32, #tpu.memory_space<hbm>>, %arg5: memref<2x128xi32, #tpu.memory_space<vmem>>, %arg6: memref<256x128xf32, #tpu.memory_space<vmem>>, %arg7: memref<!tpu.dma_semaphore, #tpu.memory_space<semaphore_mem>>, %arg8: memref<!tpu.dma_semaphore, #tpu.memory_space<semaphore_mem>>, %arg9: memref<!tpu.dma_semaphore, #tpu.memory_space<semaphore_mem>>, %arg10: memref<!tpu.dma_semaphore, #tpu.memory_space<semaphore_mem>>, %arg11: memref<!tpu.dma_semaphore, #tpu.memory_space<semaphore_mem>>, %arg12: memref<!tpu.dma_semaphore, #tpu.memory_space<semaphore_mem>>) attributes {dimension_semantics = [#tpu.dimension_semantics<core_parallel>, #tpu.dimension_semantics<subcore_parallel>], iteration_bounds = array<i64: 2, 16>, scalar_prefetch = 0 : i64, scratch_operands = 8 : i64, tpu.core_type = #tpu.core_type<sc_vector_subcore>, window_params = [{transform_indices = #map}, {transform_indices = #map}, {transform_indices = #map}]} {
    %mul3A = arith.constant 2 : i32
    %mul3A_0 = arith.muli %arg1, %mul3A : i32
    %add3A = arith.addi %mul3A_0, %arg0 : i32
    %mul3A_1 = arith.constant 256 : i32
    %mul3A_2 = arith.muli %add3A, %mul3A_1 : i32
    %mul3A_3 = arith.constant 2 : i32
    %mul3A_4 = arith.muli %add3A, %mul3A_3 : i32
    %add3A_5 = arith.constant 0 : i32
    %add3A_6 = arith.addi %mul3A_4, %add3A_5 : i32
    %dma_start3A = arith.constant 0 : i32
    %dma_start3A_7 = arith.constant 0 : i32
    %dma_start3A_8 = tpu.memref_slice %arg5[%dma_start3A, %dma_start3A_7] : memref<2x128xi32, #tpu.memory_space<vmem>> -> memref<1x128xi32, #tpu.memory_space<vmem>>
    %dma_start3A_9 = arith.constant 0 : i32
    %dma_start3A_10 = tpu.memref_slice %arg2[%add3A_6, %dma_start3A_9] : memref<64x128xi32, #tpu.memory_space<hbm>> -> memref<1x128xi32, #tpu.memory_space<hbm>>
    %dma_start3A_11 = arith.constant 0 : i32
    %dma_start3A_12 = arith.constant 0 : i32
    %dma_start3A_13 = tpu.memref_slice %arg5[%dma_start3A_11, %dma_start3A_12] : memref<2x128xi32, #tpu.memory_space<vmem>> -> memref<1x128xi32, #tpu.memory_space<vmem>>
    %dma_start3A_14 = arith.constant 0 : i32
    %dma_start3A_15 = tpu.memref_slice %arg2[%add3A_6, %dma_start3A_14] : memref<64x128xi32, #tpu.memory_space<hbm>> -> memref<1x128xi32, #tpu.memory_space<hbm>>
    tpu.enqueue_dma source(%dma_start3A_15 : memref<1x128xi32, #tpu.memory_space<hbm>>) target(%dma_start3A_13 : memref<1x128xi32, #tpu.memory_space<vmem>>) target_semaphore(%arg11 : memref<!tpu.dma_semaphore, #tpu.memory_space<semaphore_mem>>)
    %mul3A_16 = arith.constant 2 : i32
    %mul3A_17 = arith.muli %add3A, %mul3A_16 : i32
    %add3A_18 = arith.constant 1 : i32
    %add3A_19 = arith.addi %mul3A_17, %add3A_18 : i32
    %dma_start3A_20 = arith.constant 1 : i32
    %dma_start3A_21 = arith.constant 0 : i32
    %dma_start3A_22 = tpu.memref_slice %arg5[%dma_start3A_20, %dma_start3A_21] : memref<2x128xi32, #tpu.memory_space<vmem>> -> memref<1x128xi32, #tpu.memory_space<vmem>>
    %dma_start3A_23 = arith.constant 0 : i32
    %dma_start3A_24 = tpu.memref_slice %arg2[%add3A_19, %dma_start3A_23] : memref<64x128xi32, #tpu.memory_space<hbm>> -> memref<1x128xi32, #tpu.memory_space<hbm>>
    %dma_start3A_25 = arith.constant 1 : i32
    %dma_start3A_26 = arith.constant 0 : i32
    %dma_start3A_27 = tpu.memref_slice %arg5[%dma_start3A_25, %dma_start3A_26] : memref<2x128xi32, #tpu.memory_space<vmem>> -> memref<1x128xi32, #tpu.memory_space<vmem>>
    %dma_start3A_28 = arith.constant 0 : i32
    %dma_start3A_29 = tpu.memref_slice %arg2[%add3A_19, %dma_start3A_28] : memref<64x128xi32, #tpu.memory_space<hbm>> -> memref<1x128xi32, #tpu.memory_space<hbm>>
    tpu.enqueue_dma source(%dma_start3A_29 : memref<1x128xi32, #tpu.memory_space<hbm>>) target(%dma_start3A_27 : memref<1x128xi32, #tpu.memory_space<vmem>>) target_semaphore(%arg12 : memref<!tpu.dma_semaphore, #tpu.memory_space<semaphore_mem>>)
    %dma_wait3A = arith.constant 0 : i32
    %dma_wait3A_30 = arith.constant 0 : i32
    %dma_wait3A_31 = tpu.memref_slice %arg5[%dma_wait3A, %dma_wait3A_30] : memref<2x128xi32, #tpu.memory_space<vmem>> -> memref<1x128xi32, #tpu.memory_space<vmem>>
    %dma_wait3A_32 = arith.constant 0 : i32
    %dma_wait3A_33 = tpu.memref_slice %arg2[%add3A_6, %dma_wait3A_32] : memref<64x128xi32, #tpu.memory_space<hbm>> -> memref<1x128xi32, #tpu.memory_space<hbm>>
    %dma_wait3A_34 = arith.constant 0 : i32
    %dma_wait3A_35 = arith.constant 0 : i32
    %dma_wait3A_36 = tpu.memref_slice %arg5[%dma_wait3A_34, %dma_wait3A_35] : memref<2x128xi32, #tpu.memory_space<vmem>> -> memref<1x128xi32, #tpu.memory_space<vmem>>
    %dma_wait3A_37 = arith.constant 0 : i32
    %dma_wait3A_38 = tpu.memref_slice %arg2[%add3A_6, %dma_wait3A_37] : memref<64x128xi32, #tpu.memory_space<hbm>> -> memref<1x128xi32, #tpu.memory_space<hbm>>
    tpu.wait_dma2 semaphore(%arg11 : memref<!tpu.dma_semaphore, #tpu.memory_space<semaphore_mem>>) src(%dma_wait3A_38 : memref<1x128xi32, #tpu.memory_space<hbm>>) dst(%dma_wait3A_36 : memref<1x128xi32, #tpu.memory_space<vmem>>)
    %dma_start3A_39 = arith.constant 0 : i32
    %dma_start3A_40 = arith.constant 0 : i32
    %dma_start3A_41 = arith.constant 0 : i32
    %dma_start3A_42 = tpu.memref_slice %arg6[%dma_start3A_40, %dma_start3A_41] : memref<256x128xf32, #tpu.memory_space<vmem>> -> memref<128x128xf32, #tpu.memory_space<vmem>>
    %dma_start3A_43 = arith.constant 0 : i32
    %dma_start3A_44 = tpu.memref_slice %arg5[%dma_start3A_39, %dma_start3A_43] : memref<2x128xi32, #tpu.memory_space<vmem>> -> memref<1x128xi32, #tpu.memory_space<vmem>>
    %dma_start3A_45 = tpu.memref_squeeze %dma_start3A_44 : memref<1x128xi32, #tpu.memory_space<vmem>> -> memref<128xi32, #tpu.memory_space<vmem>>
    %dma_start3A_46 = arith.constant 0 : i32
    %dma_start3A_47 = arith.constant 0 : i32
    %dma_start3A_48 = tpu.memref_slice %arg3[%dma_start3A_46, %dma_start3A_47] : memref<1000000x128xf32, #tpu.memory_space<hbm>> -> memref<1000000x128xf32, #tpu.memory_space<hbm>>
    tpu.enqueue_indirect_dma source(%dma_start3A_48 : memref<1000000x128xf32, #tpu.memory_space<hbm>>) target(%dma_start3A_42 : memref<128x128xf32, #tpu.memory_space<vmem>>) offsets(%dma_start3A_45 : memref<128xi32, #tpu.memory_space<vmem>>) semaphore(%arg7 : memref<!tpu.dma_semaphore, #tpu.memory_space<semaphore_mem>>)
    %dma_wait3A_49 = arith.constant 1 : i32
    %dma_wait3A_50 = arith.constant 0 : i32
    %dma_wait3A_51 = tpu.memref_slice %arg5[%dma_wait3A_49, %dma_wait3A_50] : memref<2x128xi32, #tpu.memory_space<vmem>> -> memref<1x128xi32, #tpu.memory_space<vmem>>
    %dma_wait3A_52 = arith.constant 0 : i32
    %dma_wait3A_53 = tpu.memref_slice %arg2[%add3A_19, %dma_wait3A_52] : memref<64x128xi32, #tpu.memory_space<hbm>> -> memref<1x128xi32, #tpu.memory_space<hbm>>
    %dma_wait3A_54 = arith.constant 1 : i32
    %dma_wait3A_55 = arith.constant 0 : i32
    %dma_wait3A_56 = tpu.memref_slice %arg5[%dma_wait3A_54, %dma_wait3A_55] : memref<2x128xi32, #tpu.memory_space<vmem>> -> memref<1x128xi32, #tpu.memory_space<vmem>>
    %dma_wait3A_57 = arith.constant 0 : i32
    %dma_wait3A_58 = tpu.memref_slice %arg2[%add3A_19, %dma_wait3A_57] : memref<64x128xi32, #tpu.memory_space<hbm>> -> memref<1x128xi32, #tpu.memory_space<hbm>>
    tpu.wait_dma2 semaphore(%arg12 : memref<!tpu.dma_semaphore, #tpu.memory_space<semaphore_mem>>) src(%dma_wait3A_58 : memref<1x128xi32, #tpu.memory_space<hbm>>) dst(%dma_wait3A_56 : memref<1x128xi32, #tpu.memory_space<vmem>>)
    %dma_start3A_59 = arith.constant 1 : i32
    %dma_start3A_60 = arith.constant 128 : i32
    %dma_start3A_61 = arith.constant 0 : i32
    %dma_start3A_62 = tpu.memref_slice %arg6[%dma_start3A_60, %dma_start3A_61] : memref<256x128xf32, #tpu.memory_space<vmem>> -> memref<128x128xf32, #tpu.memory_space<vmem>>
    %dma_start3A_63 = arith.constant 0 : i32
    %dma_start3A_64 = tpu.memref_slice %arg5[%dma_start3A_59, %dma_start3A_63] : memref<2x128xi32, #tpu.memory_space<vmem>> -> memref<1x128xi32, #tpu.memory_space<vmem>>
    %dma_start3A_65 = tpu.memref_squeeze %dma_start3A_64 : memref<1x128xi32, #tpu.memory_space<vmem>> -> memref<128xi32, #tpu.memory_space<vmem>>
    %dma_start3A_66 = arith.constant 0 : i32
    %dma_start3A_67 = arith.constant 0 : i32
    %dma_start3A_68 = tpu.memref_slice %arg3[%dma_start3A_66, %dma_start3A_67] : memref<1000000x128xf32, #tpu.memory_space<hbm>> -> memref<1000000x128xf32, #tpu.memory_space<hbm>>
    tpu.enqueue_indirect_dma source(%dma_start3A_68 : memref<1000000x128xf32, #tpu.memory_space<hbm>>) target(%dma_start3A_62 : memref<128x128xf32, #tpu.memory_space<vmem>>) offsets(%dma_start3A_65 : memref<128xi32, #tpu.memory_space<vmem>>) semaphore(%arg8 : memref<!tpu.dma_semaphore, #tpu.memory_space<semaphore_mem>>)
    %dma_wait3A_69 = arith.constant 0 : i32
    %dma_wait3A_70 = arith.constant 0 : i32
    %dma_wait3A_71 = arith.constant 0 : i32
    %dma_wait3A_72 = tpu.memref_slice %arg6[%dma_wait3A_70, %dma_wait3A_71] : memref<256x128xf32, #tpu.memory_space<vmem>> -> memref<128x128xf32, #tpu.memory_space<vmem>>
    %dma_wait3A_73 = arith.constant 0 : i32
    %dma_wait3A_74 = tpu.memref_slice %arg5[%dma_wait3A_69, %dma_wait3A_73] : memref<2x128xi32, #tpu.memory_space<vmem>> -> memref<1x128xi32, #tpu.memory_space<vmem>>
    %dma_wait3A_75 = tpu.memref_squeeze %dma_wait3A_74 : memref<1x128xi32, #tpu.memory_space<vmem>> -> memref<128xi32, #tpu.memory_space<vmem>>
    %dma_wait3A_76 = arith.constant 0 : i32
    %dma_wait3A_77 = arith.constant 0 : i32
    %dma_wait3A_78 = tpu.memref_slice %arg3[%dma_wait3A_76, %dma_wait3A_77] : memref<1000000x128xf32, #tpu.memory_space<hbm>> -> memref<1000000x128xf32, #tpu.memory_space<hbm>>
    tpu.wait_indirect_dma semaphore(%arg7 : memref<!tpu.dma_semaphore, #tpu.memory_space<semaphore_mem>>) src(%dma_wait3A_78 : memref<1000000x128xf32, #tpu.memory_space<hbm>>) dst(%dma_wait3A_72 : memref<128x128xf32, #tpu.memory_space<vmem>>)
    %scan3A = arith.constant 0 : i32
    %scan3A_79 = arith.constant 0 : i32
    %scan3A_80 = arith.constant 128 : i32
    %scan3A_81 = arith.addi %scan3A_79, %scan3A_80 : i32
    %scan3A_82 = arith.constant 4 : i32
    scf.for %scan3A_144 = %scan3A_79 to %scan3A_81 step %scan3A_82  : i32 {
      %add3A_145 = arith.constant 0 : i32
      %add3A_146 = arith.addi %add3A_145, %scan3A_144 : i32
      %get3A = arith.index_cast %add3A_146 : i32 to index
      %get3A_147 = arith.constant 0 : index
      %get3A_148 = tpu.vector_load %arg6[%get3A, %get3A_147] {strides = array<i32>} : memref<256x128xf32, #tpu.memory_space<vmem>>, vector<1x16xf32>,
      %get3A_149 = vector.shape_cast %get3A_148 : vector<1x16xf32> to vector<16xf32>
      %mul3A_150 = arith.constant 11.3137083 : f32
      %mul3A_151 = vector.broadcast %mul3A_150 : f32 to vector<16xf32>
      %mul3A_152 = arith.mulf %get3A_149, %mul3A_151 : vector<16xf32>
      %swap3A = arith.index_cast %add3A_146 : i32 to index
      %swap3A_153 = arith.constant 0 : index
      %swap3A_154 = tpu.vector_load %arg6[%swap3A, %swap3A_153] {strides = array<i32>} : memref<256x128xf32, #tpu.memory_space<vmem>>, vector<1x16xf32>,
      %swap3A_155 = vector.shape_cast %swap3A_154 : vector<1x16xf32> to vector<16xf32>
      %swap3A_156 = vector.shape_cast %mul3A_152 : vector<16xf32> to vector<1x16xf32>
      tpu.vector_store %arg6[%swap3A, %swap3A_153], %swap3A_156 {strides = array<i32>} : memref<256x128xf32, #tpu.memory_space<vmem>>, vector<1x16xf32>,
      %get3A_157 = arith.index_cast %add3A_146 : i32 to index
      %get3A_158 = arith.constant 16 : index
      %get3A_159 = tpu.vector_load %arg6[%get3A_157, %get3A_158] {strides = array<i32>} : memref<256x128xf32, #tpu.memory_space<vmem>>, vector<1x16xf32>,
      %get3A_160 = vector.shape_cast %get3A_159 : vector<1x16xf32> to vector<16xf32>
      %mul3A_161 = arith.constant 11.3137083 : f32
      %mul3A_162 = vector.broadcast %mul3A_161 : f32 to vector<16xf32>
      %mul3A_163 = arith.mulf %get3A_160, %mul3A_162 : vector<16xf32>
      %swap3A_164 = arith.index_cast %add3A_146 : i32 to index
      %swap3A_165 = arith.constant 16 : index
      %swap3A_166 = tpu.vector_load %arg6[%swap3A_164, %swap3A_165] {strides = array<i32>} : memref<256x128xf32, #tpu.memory_space<vmem>>, vector<1x16xf32>,
      %swap3A_167 = vector.shape_cast %swap3A_166 : vector<1x16xf32> to vector<16xf32>
      %swap3A_168 = vector.shape_cast %mul3A_163 : vector<16xf32> to vector<1x16xf32>
      tpu.vector_store %arg6[%swap3A_164, %swap3A_165], %swap3A_168 {strides = array<i32>} : memref<256x128xf32, #tpu.memory_space<vmem>>, vector<1x16xf32>,
      %get3A_169 = arith.index_cast %add3A_146 : i32 to index
      %get3A_170 = arith.constant 32 : index
      %get3A_171 = tpu.vector_load %arg6[%get3A_169, %get3A_170] {strides = array<i32>} : memref<256x128xf32, #tpu.memory_space<vmem>>, vector<1x16xf32>,
      %get3A_172 = vector.shape_cast %get3A_171 : vector<1x16xf32> to vector<16xf32>
      %mul3A_173 = arith.constant 11.3137083 : f32
      %mul3A_174 = vector.broadcast %mul3A_173 : f32 to vector<16xf32>
      %mul3A_175 = arith.mulf %get3A_172, %mul3A_174 : vector<16xf32>
      %swap3A_176 = arith.index_cast %add3A_146 : i32 to index
      %swap3A_177 = arith.constant 32 : index
      %swap3A_178 = tpu.vector_load %arg6[%swap3A_176, %swap3A_177] {strides = array<i32>} : memref<256x128xf32, #tpu.memory_space<vmem>>, vector<1x16xf32>,
      %swap3A_179 = vector.shape_cast %swap3A_178 : vector<1x16xf32> to vector<16xf32>
      %swap3A_180 = vector.shape_cast %mul3A_175 : vector<16xf32> to vector<1x16xf32>
      tpu.vector_store %arg6[%swap3A_176, %swap3A_177], %swap3A_180 {strides = array<i32>} : memref<256x128xf32, #tpu.memory_space<vmem>>, vector<1x16xf32>,
      %get3A_181 = arith.index_cast %add3A_146 : i32 to index
      %get3A_182 = arith.constant 48 : index
      %get3A_183 = tpu.vector_load %arg6[%get3A_181, %get3A_182] {strides = array<i32>} : memref<256x128xf32, #tpu.memory_space<vmem>>, vector<1x16xf32>,
      %get3A_184 = vector.shape_cast %get3A_183 : vector<1x16xf32> to vector<16xf32>
      %mul3A_185 = arith.constant 11.3137083 : f32
      %mul3A_186 = vector.broadcast %mul3A_185 : f32 to vector<16xf32>
      %mul3A_187 = arith.mulf %get3A_184, %mul3A_186 : vector<16xf32>
      %swap3A_188 = arith.index_cast %add3A_146 : i32 to index
      %swap3A_189 = arith.constant 48 : index
      %swap3A_190 = tpu.vector_load %arg6[%swap3A_188, %swap3A_189] {strides = array<i32>} : memref<256x128xf32, #tpu.memory_space<vmem>>, vector<1x16xf32>,
      %swap3A_191 = vector.shape_cast %swap3A_190 : vector<1x16xf32> to vector<16xf32>
      %swap3A_192 = vector.shape_cast %mul3A_187 : vector<16xf32> to vector<1x16xf32>
      tpu.vector_store %arg6[%swap3A_188, %swap3A_189], %swap3A_192 {strides = array<i32>} : memref<256x128xf32, #tpu.memory_space<vmem>>, vector<1x16xf32>,
      %get3A_193 = arith.index_cast %add3A_146 : i32 to index
      %get3A_194 = arith.constant 64 : index
      %get3A_195 = tpu.vector_load %arg6[%get3A_193, %get3A_194] {strides = array<i32>} : memref<256x128xf32, #tpu.memory_space<vmem>>, vector<1x16xf32>,
      %get3A_196 = vector.shape_cast %get3A_195 : vector<1x16xf32> to vector<16xf32>
      %mul3A_197 = arith.constant 11.3137083 : f32
      %mul3A_198 = vector.broadcast %mul3A_197 : f32 to vector<16xf32>
      %mul3A_199 = arith.mulf %get3A_196, %mul3A_198 : vector<16xf32>
      %swap3A_200 = arith.index_cast %add3A_146 : i32 to index
      %swap3A_201 = arith.constant 64 : index
      %swap3A_202 = tpu.vector_load %arg6[%swap3A_200, %swap3A_201] {strides = array<i32>} : memref<256x128xf32, #tpu.memory_space<vmem>>, vector<1x16xf32>,
      %swap3A_203 = vector.shape_cast %swap3A_202 : vector<1x16xf32> to vector<16xf32>
      %swap3A_204 = vector.shape_cast %mul3A_199 : vector<16xf32> to vector<1x16xf32>
      tpu.vector_store %arg6[%swap3A_200, %swap3A_201], %swap3A_204 {strides = array<i32>} : memref<256x128xf32, #tpu.memory_space<vmem>>, vector<1x16xf32>,
      %get3A_205 = arith.index_cast %add3A_146 : i32 to index
      %get3A_206 = arith.constant 80 : index
      %get3A_207 = tpu.vector_load %arg6[%get3A_205, %get3A_206] {strides = array<i32>} : memref<256x128xf32, #tpu.memory_space<vmem>>, vector<1x16xf32>,
      %get3A_208 = vector.shape_cast %get3A_207 : vector<1x16xf32> to vector<16xf32>
      %mul3A_209 = arith.constant 11.3137083 : f32
      %mul3A_210 = vector.broadcast %mul3A_209 : f32 to vector<16xf32>
      %mul3A_211 = arith.mulf %get3A_208, %mul3A_210 : vector<16xf32>
      %swap3A_212 = arith.index_cast %add3A_146 : i32 to index
      %swap3A_213 = arith.constant 80 : index
      %swap3A_214 = tpu.vector_load %arg6[%swap3A_212, %swap3A_213] {strides = array<i32>} : memref<256x128xf32, #tpu.memory_space<vmem>>, vector<1x16xf32>,
      %swap3A_215 = vector.shape_cast %swap3A_214 : vector<1x16xf32> to vector<16xf32>
      %swap3A_216 = vector.shape_cast %mul3A_211 : vector<16xf32> to vector<1x16xf32>
      tpu.vector_store %arg6[%swap3A_212, %swap3A_213], %swap3A_216 {strides = array<i32>} : memref<256x128xf32, #tpu.memory_space<vmem>>, vector<1x16xf32>,
      %get3A_217 = arith.index_cast %add3A_146 : i32 to index
      %get3A_218 = arith.constant 96 : index
      %get3A_219 = tpu.vector_load %arg6[%get3A_217, %get3A_218] {strides = array<i32>} : memref<256x128xf32, #tpu.memory_space<vmem>>, vector<1x16xf32>,
      %get3A_220 = vector.shape_cast %get3A_219 : vector<1x16xf32> to vector<16xf32>
      %mul3A_221 = arith.constant 11.3137083 : f32
      %mul3A_222 = vector.broadcast %mul3A_221 : f32 to vector<16xf32>
      %mul3A_223 = arith.mulf %get3A_220, %mul3A_222 : vector<16xf32>
      %swap3A_224 = arith.index_cast %add3A_146 : i32 to index
      %swap3A_225 = arith.constant 96 : index
      %swap3A_226 = tpu.vector_load %arg6[%swap3A_224, %swap3A_225] {strides = array<i32>} : memref<256x128xf32, #tpu.memory_space<vmem>>, vector<1x16xf32>,
      %swap3A_227 = vector.shape_cast %swap3A_226 : vector<1x16xf32> to vector<16xf32>
      %swap3A_228 = vector.shape_cast %mul3A_223 : vector<16xf32> to vector<1x16xf32>
      tpu.vector_store %arg6[%swap3A_224, %swap3A_225], %swap3A_228 {strides = array<i32>} : memref<256x128xf32, #tpu.memory_space<vmem>>, vector<1x16xf32>,
      %get3A_229 = arith.index_cast %add3A_146 : i32 to index
      %get3A_230 = arith.constant 112 : index
      %get3A_231 = tpu.vector_load %arg6[%get3A_229, %get3A_230] {strides = array<i32>} : memref<256x128xf32, #tpu.memory_space<vmem>>, vector<1x16xf32>,
      %get3A_232 = vector.shape_cast %get3A_231 : vector<1x16xf32> to vector<16xf32>
      %mul3A_233 = arith.constant 11.3137083 : f32
      %mul3A_234 = vector.broadcast %mul3A_233 : f32 to vector<16xf32>
      %mul3A_235 = arith.mulf %get3A_232, %mul3A_234 : vector<16xf32>
      %swap3A_236 = arith.index_cast %add3A_146 : i32 to index
      %swap3A_237 = arith.constant 112 : index
      %swap3A_238 = tpu.vector_load %arg6[%swap3A_236, %swap3A_237] {strides = array<i32>} : memref<256x128xf32, #tpu.memory_space<vmem>>, vector<1x16xf32>,
      %swap3A_239 = vector.shape_cast %swap3A_238 : vector<1x16xf32> to vector<16xf32>
      %swap3A_240 = vector.shape_cast %mul3A_235 : vector<16xf32> to vector<1x16xf32>
      tpu.vector_store %arg6[%swap3A_236, %swap3A_237], %swap3A_240 {strides = array<i32>} : memref<256x128xf32, #tpu.memory_space<vmem>>, vector<1x16xf32>,
      %scan3A_241 = arith.constant 1 : i32
      %scan3A_242 = arith.addi %scan3A_144, %scan3A_241 : i32
      %add3A_243 = arith.constant 0 : i32
      %add3A_244 = arith.addi %add3A_243, %scan3A_242 : i32
      %get3A_245 = arith.index_cast %add3A_244 : i32 to index
      %get3A_246 = arith.constant 0 : index
      %get3A_247 = tpu.vector_load %arg6[%get3A_245, %get3A_246] {strides = array<i32>} : memref<256x128xf32, #tpu.memory_space<vmem>>, vector<1x16xf32>,
      %get3A_248 = vector.shape_cast %get3A_247 : vector<1x16xf32> to vector<16xf32>
      %mul3A_249 = arith.constant 11.3137083 : f32
      %mul3A_250 = vector.broadcast %mul3A_249 : f32 to vector<16xf32>
      %mul3A_251 = arith.mulf %get3A_248, %mul3A_250 : vector<16xf32>
      %swap3A_252 = arith.index_cast %add3A_244 : i32 to index
      %swap3A_253 = arith.constant 0 : index
      %swap3A_254 = tpu.vector_load %arg6[%swap3A_252, %swap3A_253] {strides = array<i32>} : memref<256x128xf32, #tpu.memory_space<vmem>>, vector<1x16xf32>,
      %swap3A_255 = vector.shape_cast %swap3A_254 : vector<1x16xf32> to vector<16xf32>
      %swap3A_256 = vector.shape_cast %mul3A_251 : vector<16xf32> to vector<1x16xf32>
      tpu.vector_store %arg6[%swap3A_252, %swap3A_253], %swap3A_256 {strides = array<i32>} : memref<256x128xf32, #tpu.memory_space<vmem>>, vector<1x16xf32>,
      %get3A_257 = arith.index_cast %add3A_244 : i32 to index
      %get3A_258 = arith.constant 16 : index
      %get3A_259 = tpu.vector_load %arg6[%get3A_257, %get3A_258] {strides = array<i32>} : memref<256x128xf32, #tpu.memory_space<vmem>>, vector<1x16xf32>,
      %get3A_260 = vector.shape_cast %get3A_259 : vector<1x16xf32> to vector<16xf32>
      %mul3A_261 = arith.constant 11.3137083 : f32
      %mul3A_262 = vector.broadcast %mul3A_261 : f32 to vector<16xf32>
      %mul3A_263 = arith.mulf %get3A_260, %mul3A_262 : vector<16xf32>
      %swap3A_264 = arith.index_cast %add3A_244 : i32 to index
      %swap3A_265 = arith.constant 16 : index
      %swap3A_266 = tpu.vector_load %arg6[%swap3A_264, %swap3A_265] {strides = array<i32>} : memref<256x128xf32, #tpu.memory_space<vmem>>, vector<1x16xf32>,
      %swap3A_267 = vector.shape_cast %swap3A_266 : vector<1x16xf32> to vector<16xf32>
      %swap3A_268 = vector.shape_cast %mul3A_263 : vector<16xf32> to vector<1x16xf32>
      tpu.vector_store %arg6[%swap3A_264, %swap3A_265], %swap3A_268 {strides = array<i32>} : memref<256x128xf32, #tpu.memory_space<vmem>>, vector<1x16xf32>,
      %get3A_269 = arith.index_cast %add3A_244 : i32 to index
      %get3A_270 = arith.constant 32 : index
      %get3A_271 = tpu.vector_load %arg6[%get3A_269, %get3A_270] {strides = array<i32>} : memref<256x128xf32, #tpu.memory_space<vmem>>, vector<1x16xf32>,
      %get3A_272 = vector.shape_cast %get3A_271 : vector<1x16xf32> to vector<16xf32>
      %mul3A_273 = arith.constant 11.3137083 : f32
      %mul3A_274 = vector.broadcast %mul3A_273 : f32 to vector<16xf32>
      %mul3A_275 = arith.mulf %get3A_272, %mul3A_274 : vector<16xf32>
      %swap3A_276 = arith.index_cast %add3A_244 : i32 to index
      %swap3A_277 = arith.constant 32 : index
      %swap3A_278 = tpu.vector_load %arg6[%swap3A_276, %swap3A_277] {strides = array<i32>} : memref<256x128xf32, #tpu.memory_space<vmem>>, vector<1x16xf32>,
      %swap3A_279 = vector.shape_cast %swap3A_278 : vector<1x16xf32> to vector<16xf32>
      %swap3A_280 = vector.shape_cast %mul3A_275 : vector<16xf32> to vector<1x16xf32>
      tpu.vector_store %arg6[%swap3A_276, %swap3A_277], %swap3A_280 {strides = array<i32>} : memref<256x128xf32, #tpu.memory_space<vmem>>, vector<1x16xf32>,
      %get3A_281 = arith.index_cast %add3A_244 : i32 to index
      %get3A_282 = arith.constant 48 : index
      %get3A_283 = tpu.vector_load %arg6[%get3A_281, %get3A_282] {strides = array<i32>} : memref<256x128xf32, #tpu.memory_space<vmem>>, vector<1x16xf32>,
      %get3A_284 = vector.shape_cast %get3A_283 : vector<1x16xf32> to vector<16xf32>
      %mul3A_285 = arith.constant 11.3137083 : f32
      %mul3A_286 = vector.broadcast %mul3A_285 : f32 to vector<16xf32>
      %mul3A_287 = arith.mulf %get3A_284, %mul3A_286 : vector<16xf32>
      %swap3A_288 = arith.index_cast %add3A_244 : i32 to index
      %swap3A_289 = arith.constant 48 : index
      %swap3A_290 = tpu.vector_load %arg6[%swap3A_288, %swap3A_289] {strides = array<i32>} : memref<256x128xf32, #tpu.memory_space<vmem>>, vector<1x16xf32>,
      %swap3A_291 = vector.shape_cast %swap3A_290 : vector<1x16xf32> to vector<16xf32>
      %swap3A_292 = vector.shape_cast %mul3A_287 : vector<16xf32> to vector<1x16xf32>
      tpu.vector_store %arg6[%swap3A_288, %swap3A_289], %swap3A_292 {strides = array<i32>} : memref<256x128xf32, #tpu.memory_space<vmem>>, vector<1x16xf32>,
      %get3A_293 = arith.index_cast %add3A_244 : i32 to index
      %get3A_294 = arith.constant 64 : index
      %get3A_295 = tpu.vector_load %arg6[%get3A_293, %get3A_294] {strides = array<i32>} : memref<256x128xf32, #tpu.memory_space<vmem>>, vector<1x16xf32>,
      %get3A_296 = vector.shape_cast %get3A_295 : vector<1x16xf32> to vector<16xf32>
      %mul3A_297 = arith.constant 11.3137083 : f32
      %mul3A_298 = vector.broadcast %mul3A_297 : f32 to vector<16xf32>
      %mul3A_299 = arith.mulf %get3A_296, %mul3A_298 : vector<16xf32>
      %swap3A_300 = arith.index_cast %add3A_244 : i32 to index
      %swap3A_301 = arith.constant 64 : index
      %swap3A_302 = tpu.vector_load %arg6[%swap3A_300, %swap3A_301] {strides = array<i32>} : memref<256x128xf32, #tpu.memory_space<vmem>>, vector<1x16xf32>,
      %swap3A_303 = vector.shape_cast %swap3A_302 : vector<1x16xf32> to vector<16xf32>
      %swap3A_304 = vector.shape_cast %mul3A_299 : vector<16xf32> to vector<1x16xf32>
      tpu.vector_store %arg6[%swap3A_300, %swap3A_301], %swap3A_304 {strides = array<i32>} : memref<256x128xf32, #tpu.memory_space<vmem>>, vector<1x16xf32>,
      %get3A_305 = arith.index_cast %add3A_244 : i32 to index
      %get3A_306 = arith.constant 80 : index
      %get3A_307 = tpu.vector_load %arg6[%get3A_305, %get3A_306] {strides = array<i32>} : memref<256x128xf32, #tpu.memory_space<vmem>>, vector<1x16xf32>,
      %get3A_308 = vector.shape_cast %get3A_307 : vector<1x16xf32> to vector<16xf32>
      %mul3A_309 = arith.constant 11.3137083 : f32
      %mul3A_310 = vector.broadcast %mul3A_309 : f32 to vector<16xf32>
      %mul3A_311 = arith.mulf %get3A_308, %mul3A_310 : vector<16xf32>
      %swap3A_312 = arith.index_cast %add3A_244 : i32 to index
      %swap3A_313 = arith.constant 80 : index
      %swap3A_314 = tpu.vector_load %arg6[%swap3A_312, %swap3A_313] {strides = array<i32>} : memref<256x128xf32, #tpu.memory_space<vmem>>, vector<1x16xf32>,
      %swap3A_315 = vector.shape_cast %swap3A_314 : vector<1x16xf32> to vector<16xf32>
      %swap3A_316 = vector.shape_cast %mul3A_311 : vector<16xf32> to vector<1x16xf32>
      tpu.vector_store %arg6[%swap3A_312, %swap3A_313], %swap3A_316 {strides = array<i32>} : memref<256x128xf32, #tpu.memory_space<vmem>>, vector<1x16xf32>,
      %get3A_317 = arith.index_cast %add3A_244 : i32 to index
      %get3A_318 = arith.constant 96 : index
      %get3A_319 = tpu.vector_load %arg6[%get3A_317, %get3A_318] {strides = array<i32>} : memref<256x128xf32, #tpu.memory_space<vmem>>, vector<1x16xf32>,
      %get3A_320 = vector.shape_cast %get3A_319 : vector<1x16xf32> to vector<16xf32>
      %mul3A_321 = arith.constant 11.3137083 : f32
      %mul3A_322 = vector.broadcast %mul3A_321 : f32 to vector<16xf32>
      %mul3A_323 = arith.mulf %get3A_320, %mul3A_322 : vector<16xf32>
      %swap3A_324 = arith.index_cast %add3A_244 : i32 to index
      %swap3A_325 = arith.constant 96 : index
      %swap3A_326 = tpu.vector_load %arg6[%swap3A_324, %swap3A_325] {strides = array<i32>} : memref<256x128xf32, #tpu.memory_space<vmem>>, vector<1x16xf32>,
      %swap3A_327 = vector.shape_cast %swap3A_326 : vector<1x16xf32> to vector<16xf32>
      %swap3A_328 = vector.shape_cast %mul3A_323 : vector<16xf32> to vector<1x16xf32>
      tpu.vector_store %arg6[%swap3A_324, %swap3A_325], %swap3A_328 {strides = array<i32>} : memref<256x128xf32, #tpu.memory_space<vmem>>, vector<1x16xf32>,
      %get3A_329 = arith.index_cast %add3A_244 : i32 to index
      %get3A_330 = arith.constant 112 : index
      %get3A_331 = tpu.vector_load %arg6[%get3A_329, %get3A_330] {strides = array<i32>} : memref<256x128xf32, #tpu.memory_space<vmem>>, vector<1x16xf32>,
      %get3A_332 = vector.shape_cast %get3A_331 : vector<1x16xf32> to vector<16xf32>
      %mul3A_333 = arith.constant 11.3137083 : f32
      %mul3A_334 = vector.broadcast %mul3A_333 : f32 to vector<16xf32>
      %mul3A_335 = arith.mulf %get3A_332, %mul3A_334 : vector<16xf32>
      %swap3A_336 = arith.index_cast %add3A_244 : i32 to index
      %swap3A_337 = arith.constant 112 : index
      %swap3A_338 = tpu.vector_load %arg6[%swap3A_336, %swap3A_337] {strides = array<i32>} : memref<256x128xf32, #tpu.memory_space<vmem>>, vector<1x16xf32>,
      %swap3A_339 = vector.shape_cast %swap3A_338 : vector<1x16xf32> to vector<16xf32>
      %swap3A_340 = vector.shape_cast %mul3A_335 : vector<16xf32> to vector<1x16xf32>
      tpu.vector_store %arg6[%swap3A_336, %swap3A_337], %swap3A_340 {strides = array<i32>} : memref<256x128xf32, #tpu.memory_space<vmem>>, vector<1x16xf32>,
      %scan3A_341 = arith.constant 2 : i32
      %scan3A_342 = arith.addi %scan3A_144, %scan3A_341 : i32
      %add3A_343 = arith.constant 0 : i32
      %add3A_344 = arith.addi %add3A_343, %scan3A_342 : i32
      %get3A_345 = arith.index_cast %add3A_344 : i32 to index
      %get3A_346 = arith.constant 0 : index
      %get3A_347 = tpu.vector_load %arg6[%get3A_345, %get3A_346] {strides = array<i32>} : memref<256x128xf32, #tpu.memory_space<vmem>>, vector<1x16xf32>,
      %get3A_348 = vector.shape_cast %get3A_347 : vector<1x16xf32> to vector<16xf32>
      %mul3A_349 = arith.constant 11.3137083 : f32
      %mul3A_350 = vector.broadcast %mul3A_349 : f32 to vector<16xf32>
      %mul3A_351 = arith.mulf %get3A_348, %mul3A_350 : vector<16xf32>
      %swap3A_352 = arith.index_cast %add3A_344 : i32 to index
      %swap3A_353 = arith.constant 0 : index
      %swap3A_354 = tpu.vector_load %arg6[%swap3A_352, %swap3A_353] {strides = array<i32>} : memref<256x128xf32, #tpu.memory_space<vmem>>, vector<1x16xf32>,
      %swap3A_355 = vector.shape_cast %swap3A_354 : vector<1x16xf32> to vector<16xf32>
      %swap3A_356 = vector.shape_cast %mul3A_351 : vector<16xf32> to vector<1x16xf32>
      tpu.vector_store %arg6[%swap3A_352, %swap3A_353], %swap3A_356 {strides = array<i32>} : memref<256x128xf32, #tpu.memory_space<vmem>>, vector<1x16xf32>,
      %get3A_357 = arith.index_cast %add3A_344 : i32 to index
      %get3A_358 = arith.constant 16 : index
      %get3A_359 = tpu.vector_load %arg6[%get3A_357, %get3A_358] {strides = array<i32>} : memref<256x128xf32, #tpu.memory_space<vmem>>, vector<1x16xf32>,
      %get3A_360 = vector.shape_cast %get3A_359 : vector<1x16xf32> to vector<16xf32>
      %mul3A_361 = arith.constant 11.3137083 : f32
      %mul3A_362 = vector.broadcast %mul3A_361 : f32 to vector<16xf32>
      %mul3A_363 = arith.mulf %get3A_360, %mul3A_362 : vector<16xf32>
      %swap3A_364 = arith.index_cast %add3A_344 : i32 to index
      %swap3A_365 = arith.constant 16 : index
      %swap3A_366 = tpu.vector_load %arg6[%swap3A_364, %swap3A_365] {strides = array<i32>} : memref<256x128xf32, #tpu.memory_space<vmem>>, vector<1x16xf32>,
      %swap3A_367 = vector.shape_cast %swap3A_366 : vector<1x16xf32> to vector<16xf32>
      %swap3A_368 = vector.shape_cast %mul3A_363 : vector<16xf32> to vector<1x16xf32>
      tpu.vector_store %arg6[%swap3A_364, %swap3A_365], %swap3A_368 {strides = array<i32>} : memref<256x128xf32, #tpu.memory_space<vmem>>, vector<1x16xf32>,
      %get3A_369 = arith.index_cast %add3A_344 : i32 to index
      %get3A_370 = arith.constant 32 : index
      %get3A_371 = tpu.vector_load %arg6[%get3A_369, %get3A_370] {strides = array<i32>} : memref<256x128xf32, #tpu.memory_space<vmem>>, vector<1x16xf32>,
      %get3A_372 = vector.shape_cast %get3A_371 : vector<1x16xf32> to vector<16xf32>
      %mul3A_373 = arith.constant 11.3137083 : f32
      %mul3A_374 = vector.broadcast %mul3A_373 : f32 to vector<16xf32>
      %mul3A_375 = arith.mulf %get3A_372, %mul3A_374 : vector<16xf32>
      %swap3A_376 = arith.index_cast %add3A_344 : i32 to index
      %swap3A_377 = arith.constant 32 : index
      %swap3A_378 = tpu.vector_load %arg6[%swap3A_376, %swap3A_377] {strides = array<i32>} : memref<256x128xf32, #tpu.memory_space<vmem>>, vector<1x16xf32>,
      %swap3A_379 = vector.shape_cast %swap3A_378 : vector<1x16xf32> to vector<16xf32>
      %swap3A_380 = vector.shape_cast %mul3A_375 : vector<16xf32> to vector<1x16xf32>
      tpu.vector_store %arg6[%swap3A_376, %swap3A_377], %swap3A_380 {strides = array<i32>} : memref<256x128xf32, #tpu.memory_space<vmem>>, vector<1x16xf32>,
      %get3A_381 = arith.index_cast %add3A_344 : i32 to index
      %get3A_382 = arith.constant 48 : index
      %get3A_383 = tpu.vector_load %arg6[%get3A_381, %get3A_382] {strides = array<i32>} : memref<256x128xf32, #tpu.memory_space<vmem>>, vector<1x16xf32>,
      %get3A_384 = vector.shape_cast %get3A_383 : vector<1x16xf32> to vector<16xf32>
      %mul3A_385 = arith.constant 11.3137083 : f32
      %mul3A_386 = vector.broadcast %mul3A_385 : f32 to vector<16xf32>
      %mul3A_387 = arith.mulf %get3A_384, %mul3A_386 : vector<16xf32>
      %swap3A_388 = arith.index_cast %add3A_344 : i32 to index
      %swap3A_389 = arith.constant 48 : index
      %swap3A_390 = tpu.vector_load %arg6[%swap3A_388, %swap3A_389] {strides = array<i32>} : memref<256x128xf32, #tpu.memory_space<vmem>>, vector<1x16xf32>,
      %swap3A_391 = vector.shape_cast %swap3A_390 : vector<1x16xf32> to vector<16xf32>
      %swap3A_392 = vector.shape_cast %mul3A_387 : vector<16xf32> to vector<1x16xf32>
      tpu.vector_store %arg6[%swap3A_388, %swap3A_389], %swap3A_392 {strides = array<i32>} : memref<256x128xf32, #tpu.memory_space<vmem>>, vector<1x16xf32>,
      %get3A_393 = arith.index_cast %add3A_344 : i32 to index
      %get3A_394 = arith.constant 64 : index
      %get3A_395 = tpu.vector_load %arg6[%get3A_393, %get3A_394] {strides = array<i32>} : memref<256x128xf32, #tpu.memory_space<vmem>>, vector<1x16xf32>,
      %get3A_396 = vector.shape_cast %get3A_395 : vector<1x16xf32> to vector<16xf32>
      %mul3A_397 = arith.constant 11.3137083 : f32
      %mul3A_398 = vector.broadcast %mul3A_397 : f32 to vector<16xf32>
      %mul3A_399 = arith.mulf %get3A_396, %mul3A_398 : vector<16xf32>
      %swap3A_400 = arith.index_cast %add3A_344 : i32 to index
      %swap3A_401 = arith.constant 64 : index
      %swap3A_402 = tpu.vector_load %arg6[%swap3A_400, %swap3A_401] {strides = array<i32>} : memref<256x128xf32, #tpu.memory_space<vmem>>, vector<1x16xf32>,
      %swap3A_403 = vector.shape_cast %swap3A_402 : vector<1x16xf32> to vector<16xf32>
      %swap3A_404 = vector.shape_cast %mul3A_399 : vector<16xf32> to vector<1x16xf32>
      tpu.vector_store %arg6[%swap3A_400, %swap3A_401], %swap3A_404 {strides = array<i32>} : memref<256x128xf32, #tpu.memory_space<vmem>>, vector<1x16xf32>,
      %get3A_405 = arith.index_cast %add3A_344 : i32 to index
      %get3A_406 = arith.constant 80 : index
      %get3A_407 = tpu.vector_load %arg6[%get3A_405, %get3A_406] {strides = array<i32>} : memref<256x128xf32, #tpu.memory_space<vmem>>, vector<1x16xf32>,
      %get3A_408 = vector.shape_cast %get3A_407 : vector<1x16xf32> to vector<16xf32>
      %mul3A_409 = arith.constant 11.3137083 : f32
      %mul3A_410 = vector.broadcast %mul3A_409 : f32 to vector<16xf32>
      %mul3A_411 = arith.mulf %get3A_408, %mul3A_410 : vector<16xf32>
      %swap3A_412 = arith.index_cast %add3A_344 : i32 to index
      %swap3A_413 = arith.constant 80 : index
      %swap3A_414 = tpu.vector_load %arg6[%swap3A_412, %swap3A_413] {strides = array<i32>} : memref<256x128xf32, #tpu.memory_space<vmem>>, vector<1x16xf32>,
      %swap3A_415 = vector.shape_cast %swap3A_414 : vector<1x16xf32> to vector<16xf32>
      %swap3A_416 = vector.shape_cast %mul3A_411 : vector<16xf32> to vector<1x16xf32>
      tpu.vector_store %arg6[%swap3A_412, %swap3A_413], %swap3A_416 {strides = array<i32>} : memref<256x128xf32, #tpu.memory_space<vmem>>, vector<1x16xf32>,
      %get3A_417 = arith.index_cast %add3A_344 : i32 to index
      %get3A_418 = arith.constant 96 : index
      %get3A_419 = tpu.vector_load %arg6[%get3A_417, %get3A_418] {strides = array<i32>} : memref<256x128xf32, #tpu.memory_space<vmem>>, vector<1x16xf32>,
      %get3A_420 = vector.shape_cast %get3A_419 : vector<1x16xf32> to vector<16xf32>
      %mul3A_421 = arith.constant 11.3137083 : f32
      %mul3A_422 = vector.broadcast %mul3A_421 : f32 to vector<16xf32>
      %mul3A_423 = arith.mulf %get3A_420, %mul3A_422 : vector<16xf32>
      %swap3A_424 = arith.index_cast %add3A_344 : i32 to index
      %swap3A_425 = arith.constant 96 : index
      %swap3A_426 = tpu.vector_load %arg6[%swap3A_424, %swap3A_425] {strides = array<i32>} : memref<256x128xf32, #tpu.memory_space<vmem>>, vector<1x16xf32>,
      %swap3A_427 = vector.shape_cast %swap3A_426 : vector<1x16xf32> to vector<16xf32>
      %swap3A_428 = vector.shape_cast %mul3A_423 : vector<16xf32> to vector<1x16xf32>
      tpu.vector_store %arg6[%swap3A_424, %swap3A_425], %swap3A_428 {strides = array<i32>} : memref<256x128xf32, #tpu.memory_space<vmem>>, vector<1x16xf32>,
      %get3A_429 = arith.index_cast %add3A_344 : i32 to index
      %get3A_430 = arith.constant 112 : index
      %get3A_431 = tpu.vector_load %arg6[%get3A_429, %get3A_430] {strides = array<i32>} : memref<256x128xf32, #tpu.memory_space<vmem>>, vector<1x16xf32>,
      %get3A_432 = vector.shape_cast %get3A_431 : vector<1x16xf32> to vector<16xf32>
      %mul3A_433 = arith.constant 11.3137083 : f32
      %mul3A_434 = vector.broadcast %mul3A_433 : f32 to vector<16xf32>
      %mul3A_435 = arith.mulf %get3A_432, %mul3A_434 : vector<16xf32>
      %swap3A_436 = arith.index_cast %add3A_344 : i32 to index
      %swap3A_437 = arith.constant 112 : index
      %swap3A_438 = tpu.vector_load %arg6[%swap3A_436, %swap3A_437] {strides = array<i32>} : memref<256x128xf32, #tpu.memory_space<vmem>>, vector<1x16xf32>,
      %swap3A_439 = vector.shape_cast %swap3A_438 : vector<1x16xf32> to vector<16xf32>
      %swap3A_440 = vector.shape_cast %mul3A_435 : vector<16xf32> to vector<1x16xf32>
      tpu.vector_store %arg6[%swap3A_436, %swap3A_437], %swap3A_440 {strides = array<i32>} : memref<256x128xf32, #tpu.memory_space<vmem>>, vector<1x16xf32>,
      %scan3A_441 = arith.constant 3 : i32
      %scan3A_442 = arith.addi %scan3A_144, %scan3A_441 : i32
      %add3A_443 = arith.constant 0 : i32
      %add3A_444 = arith.addi %add3A_443, %scan3A_442 : i32
      %get3A_445 = arith.index_cast %add3A_444 : i32 to index
      %get3A_446 = arith.constant 0 : index
      %get3A_447 = tpu.vector_load %arg6[%get3A_445, %get3A_446] {strides = array<i32>} : memref<256x128xf32, #tpu.memory_space<vmem>>, vector<1x16xf32>,
      %get3A_448 = vector.shape_cast %get3A_447 : vector<1x16xf32> to vector<16xf32>
      %mul3A_449 = arith.constant 11.3137083 : f32
      %mul3A_450 = vector.broadcast %mul3A_449 : f32 to vector<16xf32>
      %mul3A_451 = arith.mulf %get3A_448, %mul3A_450 : vector<16xf32>
      %swap3A_452 = arith.index_cast %add3A_444 : i32 to index
      %swap3A_453 = arith.constant 0 : index
      %swap3A_454 = tpu.vector_load %arg6[%swap3A_452, %swap3A_453] {strides = array<i32>} : memref<256x128xf32, #tpu.memory_space<vmem>>, vector<1x16xf32>,
      %swap3A_455 = vector.shape_cast %swap3A_454 : vector<1x16xf32> to vector<16xf32>
      %swap3A_456 = vector.shape_cast %mul3A_451 : vector<16xf32> to vector<1x16xf32>
      tpu.vector_store %arg6[%swap3A_452, %swap3A_453], %swap3A_456 {strides = array<i32>} : memref<256x128xf32, #tpu.memory_space<vmem>>, vector<1x16xf32>,
      %get3A_457 = arith.index_cast %add3A_444 : i32 to index
      %get3A_458 = arith.constant 16 : index
      %get3A_459 = tpu.vector_load %arg6[%get3A_457, %get3A_458] {strides = array<i32>} : memref<256x128xf32, #tpu.memory_space<vmem>>, vector<1x16xf32>,
      %get3A_460 = vector.shape_cast %get3A_459 : vector<1x16xf32> to vector<16xf32>
      %mul3A_461 = arith.constant 11.3137083 : f32
      %mul3A_462 = vector.broadcast %mul3A_461 : f32 to vector<16xf32>
      %mul3A_463 = arith.mulf %get3A_460, %mul3A_462 : vector<16xf32>
      %swap3A_464 = arith.index_cast %add3A_444 : i32 to index
      %swap3A_465 = arith.constant 16 : index
      %swap3A_466 = tpu.vector_load %arg6[%swap3A_464, %swap3A_465] {strides = array<i32>} : memref<256x128xf32, #tpu.memory_space<vmem>>, vector<1x16xf32>,
      %swap3A_467 = vector.shape_cast %swap3A_466 : vector<1x16xf32> to vector<16xf32>
      %swap3A_468 = vector.shape_cast %mul3A_463 : vector<16xf32> to vector<1x16xf32>
      tpu.vector_store %arg6[%swap3A_464, %swap3A_465], %swap3A_468 {strides = array<i32>} : memref<256x128xf32, #tpu.memory_space<vmem>>, vector<1x16xf32>,
      %get3A_469 = arith.index_cast %add3A_444 : i32 to index
      %get3A_470 = arith.constant 32 : index
      %get3A_471 = tpu.vector_load %arg6[%get3A_469, %get3A_470] {strides = array<i32>} : memref<256x128xf32, #tpu.memory_space<vmem>>, vector<1x16xf32>,
      %get3A_472 = vector.shape_cast %get3A_471 : vector<1x16xf32> to vector<16xf32>
      %mul3A_473 = arith.constant 11.3137083 : f32
      %mul3A_474 = vector.broadcast %mul3A_473 : f32 to vector<16xf32>
      %mul3A_475 = arith.mulf %get3A_472, %mul3A_474 : vector<16xf32>
      %swap3A_476 = arith.index_cast %add3A_444 : i32 to index
      %swap3A_477 = arith.constant 32 : index
      %swap3A_478 = tpu.vector_load %arg6[%swap3A_476, %swap3A_477] {strides = array<i32>} : memref<256x128xf32, #tpu.memory_space<vmem>>, vector<1x16xf32>,
      %swap3A_479 = vector.shape_cast %swap3A_478 : vector<1x16xf32> to vector<16xf32>
      %swap3A_480 = vector.shape_cast %mul3A_475 : vector<16xf32> to vector<1x16xf32>
      tpu.vector_store %arg6[%swap3A_476, %swap3A_477], %swap3A_480 {strides = array<i32>} : memref<256x128xf32, #tpu.memory_space<vmem>>, vector<1x16xf32>,
      %get3A_481 = arith.index_cast %add3A_444 : i32 to index
      %get3A_482 = arith.constant 48 : index
      %get3A_483 = tpu.vector_load %arg6[%get3A_481, %get3A_482] {strides = array<i32>} : memref<256x128xf32, #tpu.memory_space<vmem>>, vector<1x16xf32>,
      %get3A_484 = vector.shape_cast %get3A_483 : vector<1x16xf32> to vector<16xf32>
      %mul3A_485 = arith.constant 11.3137083 : f32
      %mul3A_486 = vector.broadcast %mul3A_485 : f32 to vector<16xf32>
      %mul3A_487 = arith.mulf %get3A_484, %mul3A_486 : vector<16xf32>
      %swap3A_488 = arith.index_cast %add3A_444 : i32 to index
      %swap3A_489 = arith.constant 48 : index
      %swap3A_490 = tpu.vector_load %arg6[%swap3A_488, %swap3A_489] {strides = array<i32>} : memref<256x128xf32, #tpu.memory_space<vmem>>, vector<1x16xf32>,
      %swap3A_491 = vector.shape_cast %swap3A_490 : vector<1x16xf32> to vector<16xf32>
      %swap3A_492 = vector.shape_cast %mul3A_487 : vector<16xf32> to vector<1x16xf32>
      tpu.vector_store %arg6[%swap3A_488, %swap3A_489], %swap3A_492 {strides = array<i32>} : memref<256x128xf32, #tpu.memory_space<vmem>>, vector<1x16xf32>,
      %get3A_493 = arith.index_cast %add3A_444 : i32 to index
      %get3A_494 = arith.constant 64 : index
      %get3A_495 = tpu.vector_load %arg6[%get3A_493, %get3A_494] {strides = array<i32>} : memref<256x128xf32, #tpu.memory_space<vmem>>, vector<1x16xf32>,
      %get3A_496 = vector.shape_cast %get3A_495 : vector<1x16xf32> to vector<16xf32>
      %mul3A_497 = arith.constant 11.3137083 : f32
      %mul3A_498 = vector.broadcast %mul3A_497 : f32 to vector<16xf32>
      %mul3A_499 = arith.mulf %get3A_496, %mul3A_498 : vector<16xf32>
      %swap3A_500 = arith.index_cast %add3A_444 : i32 to index
      %swap3A_501 = arith.constant 64 : index
      %swap3A_502 = tpu.vector_load %arg6[%swap3A_500, %swap3A_501] {strides = array<i32>} : memref<256x128xf32, #tpu.memory_space<vmem>>, vector<1x16xf32>,
      %swap3A_503 = vector.shape_cast %swap3A_502 : vector<1x16xf32> to vector<16xf32>
      %swap3A_504 = vector.shape_cast %mul3A_499 : vector<16xf32> to vector<1x16xf32>
      tpu.vector_store %arg6[%swap3A_500, %swap3A_501], %swap3A_504 {strides = array<i32>} : memref<256x128xf32, #tpu.memory_space<vmem>>, vector<1x16xf32>,
      %get3A_505 = arith.index_cast %add3A_444 : i32 to index
      %get3A_506 = arith.constant 80 : index
      %get3A_507 = tpu.vector_load %arg6[%get3A_505, %get3A_506] {strides = array<i32>} : memref<256x128xf32, #tpu.memory_space<vmem>>, vector<1x16xf32>,
      %get3A_508 = vector.shape_cast %get3A_507 : vector<1x16xf32> to vector<16xf32>
      %mul3A_509 = arith.constant 11.3137083 : f32
      %mul3A_510 = vector.broadcast %mul3A_509 : f32 to vector<16xf32>
      %mul3A_511 = arith.mulf %get3A_508, %mul3A_510 : vector<16xf32>
      %swap3A_512 = arith.index_cast %add3A_444 : i32 to index
      %swap3A_513 = arith.constant 80 : index
      %swap3A_514 = tpu.vector_load %arg6[%swap3A_512, %swap3A_513] {strides = array<i32>} : memref<256x128xf32, #tpu.memory_space<vmem>>, vector<1x16xf32>,
      %swap3A_515 = vector.shape_cast %swap3A_514 : vector<1x16xf32> to vector<16xf32>
      %swap3A_516 = vector.shape_cast %mul3A_511 : vector<16xf32> to vector<1x16xf32>
      tpu.vector_store %arg6[%swap3A_512, %swap3A_513], %swap3A_516 {strides = array<i32>} : memref<256x128xf32, #tpu.memory_space<vmem>>, vector<1x16xf32>,
      %get3A_517 = arith.index_cast %add3A_444 : i32 to index
      %get3A_518 = arith.constant 96 : index
      %get3A_519 = tpu.vector_load %arg6[%get3A_517, %get3A_518] {strides = array<i32>} : memref<256x128xf32, #tpu.memory_space<vmem>>, vector<1x16xf32>,
      %get3A_520 = vector.shape_cast %get3A_519 : vector<1x16xf32> to vector<16xf32>
      %mul3A_521 = arith.constant 11.3137083 : f32
      %mul3A_522 = vector.broadcast %mul3A_521 : f32 to vector<16xf32>
      %mul3A_523 = arith.mulf %get3A_520, %mul3A_522 : vector<16xf32>
      %swap3A_524 = arith.index_cast %add3A_444 : i32 to index
      %swap3A_525 = arith.constant 96 : index
      %swap3A_526 = tpu.vector_load %arg6[%swap3A_524, %swap3A_525] {strides = array<i32>} : memref<256x128xf32, #tpu.memory_space<vmem>>, vector<1x16xf32>,
      %swap3A_527 = vector.shape_cast %swap3A_526 : vector<1x16xf32> to vector<16xf32>
      %swap3A_528 = vector.shape_cast %mul3A_523 : vector<16xf32> to vector<1x16xf32>
      tpu.vector_store %arg6[%swap3A_524, %swap3A_525], %swap3A_528 {strides = array<i32>} : memref<256x128xf32, #tpu.memory_space<vmem>>, vector<1x16xf32>,
      %get3A_529 = arith.index_cast %add3A_444 : i32 to index
      %get3A_530 = arith.constant 112 : index
      %get3A_531 = tpu.vector_load %arg6[%get3A_529, %get3A_530] {strides = array<i32>} : memref<256x128xf32, #tpu.memory_space<vmem>>, vector<1x16xf32>,
      %get3A_532 = vector.shape_cast %get3A_531 : vector<1x16xf32> to vector<16xf32>
      %mul3A_533 = arith.constant 11.3137083 : f32
      %mul3A_534 = vector.broadcast %mul3A_533 : f32 to vector<16xf32>
      %mul3A_535 = arith.mulf %get3A_532, %mul3A_534 : vector<16xf32>
      %swap3A_536 = arith.index_cast %add3A_444 : i32 to index
      %swap3A_537 = arith.constant 112 : index
      %swap3A_538 = tpu.vector_load %arg6[%swap3A_536, %swap3A_537] {strides = array<i32>} : memref<256x128xf32, #tpu.memory_space<vmem>>, vector<1x16xf32>,
      %swap3A_539 = vector.shape_cast %swap3A_538 : vector<1x16xf32> to vector<16xf32>
      %swap3A_540 = vector.shape_cast %mul3A_535 : vector<16xf32> to vector<1x16xf32>
      tpu.vector_store %arg6[%swap3A_536, %swap3A_537], %swap3A_540 {strides = array<i32>} : memref<256x128xf32, #tpu.memory_space<vmem>>, vector<1x16xf32>,
    }
    %scan3A_83 = arith.constant 128 : i32
    %add3A_84 = arith.constant 0 : i32
    %add3A_85 = arith.addi %mul3A_2, %add3A_84 : i32
    %dma_start3A_86 = arith.constant 0 : i32
    %dma_start3A_87 = arith.constant 0 : i32
    %dma_start3A_88 = tpu.memref_slice %arg6[%dma_start3A_86, %dma_start3A_87] : memref<256x128xf32, #tpu.memory_space<vmem>> -> memref<128x128xf32, #tpu.memory_space<vmem>>
    %dma_start3A_89 = arith.constant 0 : i32
    %dma_start3A_90 = tpu.memref_slice %arg4[%add3A_85, %dma_start3A_89] : memref<8192x128xf32, #tpu.memory_space<hbm>> -> memref<128x128xf32, #tpu.memory_space<hbm>>
    %dma_start3A_91 = arith.constant 0 : i32
    %dma_start3A_92 = tpu.memref_slice %arg4[%add3A_85, %dma_start3A_91] : memref<8192x128xf32, #tpu.memory_space<hbm>> -> memref<128x128xf32, #tpu.memory_space<hbm>>
    %dma_start3A_93 = arith.constant 0 : i32
    %dma_start3A_94 = arith.constant 0 : i32
    %dma_start3A_95 = tpu.memref_slice %arg6[%dma_start3A_93, %dma_start3A_94] : memref<256x128xf32, #tpu.memory_space<vmem>> -> memref<128x128xf32, #tpu.memory_space<vmem>>
    tpu.enqueue_dma source(%dma_start3A_95 : memref<128x128xf32, #tpu.memory_space<vmem>>) target(%dma_start3A_92 : memref<128x128xf32, #tpu.memory_space<hbm>>) target_semaphore(%arg9 : memref<!tpu.dma_semaphore, #tpu.memory_space<semaphore_mem>>)
    %dma_wait3A_96 = arith.constant 1 : i32
    %dma_wait3A_97 = arith.constant 128 : i32
    %dma_wait3A_98 = arith.constant 0 : i32
    %dma_wait3A_99 = tpu.memref_slice %arg6[%dma_wait3A_97, %dma_wait3A_98] : memref<256x128xf32, #tpu.memory_space<vmem>> -> memref<128x128xf32, #tpu.memory_space<vmem>>
    %dma_wait3A_100 = arith.constant 0 : i32
    %dma_wait3A_101 = tpu.memref_slice %arg5[%dma_wait3A_96, %dma_wait3A_100] : memref<2x128xi32, #tpu.memory_space<vmem>> -> memref<1x128xi32, #tpu.memory_space<vmem>>
    %dma_wait3A_102 = tpu.memref_squeeze %dma_wait3A_101 : memref<1x128xi32, #tpu.memory_space<vmem>> -> memref<128xi32, #tpu.memory_space<vmem>>
    %dma_wait3A_103 = arith.constant 0 : i32
    %dma_wait3A_104 = arith.constant 0 : i32
    %dma_wait3A_105 = tpu.memref_slice %arg3[%dma_wait3A_103, %dma_wait3A_104] : memref<1000000x128xf32, #tpu.memory_space<hbm>> -> memref<1000000x128xf32, #tpu.memory_space<hbm>>
    tpu.wait_indirect_dma semaphore(%arg8 : memref<!tpu.dma_semaphore, #tpu.memory_space<semaphore_mem>>) src(%dma_wait3A_105 : memref<1000000x128xf32, #tpu.memory_space<hbm>>) dst(%dma_wait3A_99 : memref<128x128xf32, #tpu.memory_space<vmem>>)
    %scan3A_106 = arith.constant 0 : i32
    %scan3A_107 = arith.constant 0 : i32
    %scan3A_108 = arith.constant 128 : i32
    %scan3A_109 = arith.addi %scan3A_107, %scan3A_108 : i32
    %scan3A_110 = arith.constant 4 : i32
    scf.for %scan3A_144 = %scan3A_107 to %scan3A_109 step %scan3A_110  : i32 {
      %add3A_145 = arith.constant 128 : i32
      %add3A_146 = arith.addi %add3A_145, %scan3A_144 : i32
      %get3A = arith.index_cast %add3A_146 : i32 to index
      %get3A_147 = arith.constant 0 : index
      %get3A_148 = tpu.vector_load %arg6[%get3A, %get3A_147] {strides = array<i32>} : memref<256x128xf32, #tpu.memory_space<vmem>>, vector<1x16xf32>,
      %get3A_149 = vector.shape_cast %get3A_148 : vector<1x16xf32> to vector<16xf32>
      %mul3A_150 = arith.constant 11.3137083 : f32
      %mul3A_151 = vector.broadcast %mul3A_150 : f32 to vector<16xf32>
      %mul3A_152 = arith.mulf %get3A_149, %mul3A_151 : vector<16xf32>
      %swap3A = arith.index_cast %add3A_146 : i32 to index
      %swap3A_153 = arith.constant 0 : index
      %swap3A_154 = tpu.vector_load %arg6[%swap3A, %swap3A_153] {strides = array<i32>} : memref<256x128xf32, #tpu.memory_space<vmem>>, vector<1x16xf32>,
      %swap3A_155 = vector.shape_cast %swap3A_154 : vector<1x16xf32> to vector<16xf32>
      %swap3A_156 = vector.shape_cast %mul3A_152 : vector<16xf32> to vector<1x16xf32>
      tpu.vector_store %arg6[%swap3A, %swap3A_153], %swap3A_156 {strides = array<i32>} : memref<256x128xf32, #tpu.memory_space<vmem>>, vector<1x16xf32>,
      %get3A_157 = arith.index_cast %add3A_146 : i32 to index
      %get3A_158 = arith.constant 16 : index
      %get3A_159 = tpu.vector_load %arg6[%get3A_157, %get3A_158] {strides = array<i32>} : memref<256x128xf32, #tpu.memory_space<vmem>>, vector<1x16xf32>,
      %get3A_160 = vector.shape_cast %get3A_159 : vector<1x16xf32> to vector<16xf32>
      %mul3A_161 = arith.constant 11.3137083 : f32
      %mul3A_162 = vector.broadcast %mul3A_161 : f32 to vector<16xf32>
      %mul3A_163 = arith.mulf %get3A_160, %mul3A_162 : vector<16xf32>
      %swap3A_164 = arith.index_cast %add3A_146 : i32 to index
      %swap3A_165 = arith.constant 16 : index
      %swap3A_166 = tpu.vector_load %arg6[%swap3A_164, %swap3A_165] {strides = array<i32>} : memref<256x128xf32, #tpu.memory_space<vmem>>, vector<1x16xf32>,
      %swap3A_167 = vector.shape_cast %swap3A_166 : vector<1x16xf32> to vector<16xf32>
      %swap3A_168 = vector.shape_cast %mul3A_163 : vector<16xf32> to vector<1x16xf32>
      tpu.vector_store %arg6[%swap3A_164, %swap3A_165], %swap3A_168 {strides = array<i32>} : memref<256x128xf32, #tpu.memory_space<vmem>>, vector<1x16xf32>,
      %get3A_169 = arith.index_cast %add3A_146 : i32 to index
      %get3A_170 = arith.constant 32 : index
      %get3A_171 = tpu.vector_load %arg6[%get3A_169, %get3A_170] {strides = array<i32>} : memref<256x128xf32, #tpu.memory_space<vmem>>, vector<1x16xf32>,
      %get3A_172 = vector.shape_cast %get3A_171 : vector<1x16xf32> to vector<16xf32>
      %mul3A_173 = arith.constant 11.3137083 : f32
      %mul3A_174 = vector.broadcast %mul3A_173 : f32 to vector<16xf32>
      %mul3A_175 = arith.mulf %get3A_172, %mul3A_174 : vector<16xf32>
      %swap3A_176 = arith.index_cast %add3A_146 : i32 to index
      %swap3A_177 = arith.constant 32 : index
      %swap3A_178 = tpu.vector_load %arg6[%swap3A_176, %swap3A_177] {strides = array<i32>} : memref<256x128xf32, #tpu.memory_space<vmem>>, vector<1x16xf32>,
      %swap3A_179 = vector.shape_cast %swap3A_178 : vector<1x16xf32> to vector<16xf32>
      %swap3A_180 = vector.shape_cast %mul3A_175 : vector<16xf32> to vector<1x16xf32>
      tpu.vector_store %arg6[%swap3A_176, %swap3A_177], %swap3A_180 {strides = array<i32>} : memref<256x128xf32, #tpu.memory_space<vmem>>, vector<1x16xf32>,
      %get3A_181 = arith.index_cast %add3A_146 : i32 to index
      %get3A_182 = arith.constant 48 : index
      %get3A_183 = tpu.vector_load %arg6[%get3A_181, %get3A_182] {strides = array<i32>} : memref<256x128xf32, #tpu.memory_space<vmem>>, vector<1x16xf32>,
      %get3A_184 = vector.shape_cast %get3A_183 : vector<1x16xf32> to vector<16xf32>
      %mul3A_185 = arith.constant 11.3137083 : f32
      %mul3A_186 = vector.broadcast %mul3A_185 : f32 to vector<16xf32>
      %mul3A_187 = arith.mulf %get3A_184, %mul3A_186 : vector<16xf32>
      %swap3A_188 = arith.index_cast %add3A_146 : i32 to index
      %swap3A_189 = arith.constant 48 : index
      %swap3A_190 = tpu.vector_load %arg6[%swap3A_188, %swap3A_189] {strides = array<i32>} : memref<256x128xf32, #tpu.memory_space<vmem>>, vector<1x16xf32>,
      %swap3A_191 = vector.shape_cast %swap3A_190 : vector<1x16xf32> to vector<16xf32>
      %swap3A_192 = vector.shape_cast %mul3A_187 : vector<16xf32> to vector<1x16xf32>
      tpu.vector_store %arg6[%swap3A_188, %swap3A_189], %swap3A_192 {strides = array<i32>} : memref<256x128xf32, #tpu.memory_space<vmem>>, vector<1x16xf32>,
      %get3A_193 = arith.index_cast %add3A_146 : i32 to index
      %get3A_194 = arith.constant 64 : index
      %get3A_195 = tpu.vector_load %arg6[%get3A_193, %get3A_194] {strides = array<i32>} : memref<256x128xf32, #tpu.memory_space<vmem>>, vector<1x16xf32>,
      %get3A_196 = vector.shape_cast %get3A_195 : vector<1x16xf32> to vector<16xf32>
      %mul3A_197 = arith.constant 11.3137083 : f32
      %mul3A_198 = vector.broadcast %mul3A_197 : f32 to vector<16xf32>
      %mul3A_199 = arith.mulf %get3A_196, %mul3A_198 : vector<16xf32>
      %swap3A_200 = arith.index_cast %add3A_146 : i32 to index
      %swap3A_201 = arith.constant 64 : index
      %swap3A_202 = tpu.vector_load %arg6[%swap3A_200, %swap3A_201] {strides = array<i32>} : memref<256x128xf32, #tpu.memory_space<vmem>>, vector<1x16xf32>,
      %swap3A_203 = vector.shape_cast %swap3A_202 : vector<1x16xf32> to vector<16xf32>
      %swap3A_204 = vector.shape_cast %mul3A_199 : vector<16xf32> to vector<1x16xf32>
      tpu.vector_store %arg6[%swap3A_200, %swap3A_201], %swap3A_204 {strides = array<i32>} : memref<256x128xf32, #tpu.memory_space<vmem>>, vector<1x16xf32>,
      %get3A_205 = arith.index_cast %add3A_146 : i32 to index
      %get3A_206 = arith.constant 80 : index
      %get3A_207 = tpu.vector_load %arg6[%get3A_205, %get3A_206] {strides = array<i32>} : memref<256x128xf32, #tpu.memory_space<vmem>>, vector<1x16xf32>,
      %get3A_208 = vector.shape_cast %get3A_207 : vector<1x16xf32> to vector<16xf32>
      %mul3A_209 = arith.constant 11.3137083 : f32
      %mul3A_210 = vector.broadcast %mul3A_209 : f32 to vector<16xf32>
      %mul3A_211 = arith.mulf %get3A_208, %mul3A_210 : vector<16xf32>
      %swap3A_212 = arith.index_cast %add3A_146 : i32 to index
      %swap3A_213 = arith.constant 80 : index
      %swap3A_214 = tpu.vector_load %arg6[%swap3A_212, %swap3A_213] {strides = array<i32>} : memref<256x128xf32, #tpu.memory_space<vmem>>, vector<1x16xf32>,
      %swap3A_215 = vector.shape_cast %swap3A_214 : vector<1x16xf32> to vector<16xf32>
      %swap3A_216 = vector.shape_cast %mul3A_211 : vector<16xf32> to vector<1x16xf32>
      tpu.vector_store %arg6[%swap3A_212, %swap3A_213], %swap3A_216 {strides = array<i32>} : memref<256x128xf32, #tpu.memory_space<vmem>>, vector<1x16xf32>,
      %get3A_217 = arith.index_cast %add3A_146 : i32 to index
      %get3A_218 = arith.constant 96 : index
      %get3A_219 = tpu.vector_load %arg6[%get3A_217, %get3A_218] {strides = array<i32>} : memref<256x128xf32, #tpu.memory_space<vmem>>, vector<1x16xf32>,
      %get3A_220 = vector.shape_cast %get3A_219 : vector<1x16xf32> to vector<16xf32>
      %mul3A_221 = arith.constant 11.3137083 : f32
      %mul3A_222 = vector.broadcast %mul3A_221 : f32 to vector<16xf32>
      %mul3A_223 = arith.mulf %get3A_220, %mul3A_222 : vector<16xf32>
      %swap3A_224 = arith.index_cast %add3A_146 : i32 to index
      %swap3A_225 = arith.constant 96 : index
      %swap3A_226 = tpu.vector_load %arg6[%swap3A_224, %swap3A_225] {strides = array<i32>} : memref<256x128xf32, #tpu.memory_space<vmem>>, vector<1x16xf32>,
      %swap3A_227 = vector.shape_cast %swap3A_226 : vector<1x16xf32> to vector<16xf32>
      %swap3A_228 = vector.shape_cast %mul3A_223 : vector<16xf32> to vector<1x16xf32>
      tpu.vector_store %arg6[%swap3A_224, %swap3A_225], %swap3A_228 {strides = array<i32>} : memref<256x128xf32, #tpu.memory_space<vmem>>, vector<1x16xf32>,
      %get3A_229 = arith.index_cast %add3A_146 : i32 to index
      %get3A_230 = arith.constant 112 : index
      %get3A_231 = tpu.vector_load %arg6[%get3A_229, %get3A_230] {strides = array<i32>} : memref<256x128xf32, #tpu.memory_space<vmem>>, vector<1x16xf32>,
      %get3A_232 = vector.shape_cast %get3A_231 : vector<1x16xf32> to vector<16xf32>
      %mul3A_233 = arith.constant 11.3137083 : f32
      %mul3A_234 = vector.broadcast %mul3A_233 : f32 to vector<16xf32>
      %mul3A_235 = arith.mulf %get3A_232, %mul3A_234 : vector<16xf32>
      %swap3A_236 = arith.index_cast %add3A_146 : i32 to index
      %swap3A_237 = arith.constant 112 : index
      %swap3A_238 = tpu.vector_load %arg6[%swap3A_236, %swap3A_237] {strides = array<i32>} : memref<256x128xf32, #tpu.memory_space<vmem>>, vector<1x16xf32>,
      %swap3A_239 = vector.shape_cast %swap3A_238 : vector<1x16xf32> to vector<16xf32>
      %swap3A_240 = vector.shape_cast %mul3A_235 : vector<16xf32> to vector<1x16xf32>
      tpu.vector_store %arg6[%swap3A_236, %swap3A_237], %swap3A_240 {strides = array<i32>} : memref<256x128xf32, #tpu.memory_space<vmem>>, vector<1x16xf32>,
      %scan3A_241 = arith.constant 1 : i32
      %scan3A_242 = arith.addi %scan3A_144, %scan3A_241 : i32
      %add3A_243 = arith.constant 128 : i32
      %add3A_244 = arith.addi %add3A_243, %scan3A_242 : i32
      %get3A_245 = arith.index_cast %add3A_244 : i32 to index
      %get3A_246 = arith.constant 0 : index
      %get3A_247 = tpu.vector_load %arg6[%get3A_245, %get3A_246] {strides = array<i32>} : memref<256x128xf32, #tpu.memory_space<vmem>>, vector<1x16xf32>,
      %get3A_248 = vector.shape_cast %get3A_247 : vector<1x16xf32> to vector<16xf32>
      %mul3A_249 = arith.constant 11.3137083 : f32
      %mul3A_250 = vector.broadcast %mul3A_249 : f32 to vector<16xf32>
      %mul3A_251 = arith.mulf %get3A_248, %mul3A_250 : vector<16xf32>
      %swap3A_252 = arith.index_cast %add3A_244 : i32 to index
      %swap3A_253 = arith.constant 0 : index
      %swap3A_254 = tpu.vector_load %arg6[%swap3A_252, %swap3A_253] {strides = array<i32>} : memref<256x128xf32, #tpu.memory_space<vmem>>, vector<1x16xf32>,
      %swap3A_255 = vector.shape_cast %swap3A_254 : vector<1x16xf32> to vector<16xf32>
      %swap3A_256 = vector.shape_cast %mul3A_251 : vector<16xf32> to vector<1x16xf32>
      tpu.vector_store %arg6[%swap3A_252, %swap3A_253], %swap3A_256 {strides = array<i32>} : memref<256x128xf32, #tpu.memory_space<vmem>>, vector<1x16xf32>,
      %get3A_257 = arith.index_cast %add3A_244 : i32 to index
      %get3A_258 = arith.constant 16 : index
      %get3A_259 = tpu.vector_load %arg6[%get3A_257, %get3A_258] {strides = array<i32>} : memref<256x128xf32, #tpu.memory_space<vmem>>, vector<1x16xf32>,
      %get3A_260 = vector.shape_cast %get3A_259 : vector<1x16xf32> to vector<16xf32>
      %mul3A_261 = arith.constant 11.3137083 : f32
      %mul3A_262 = vector.broadcast %mul3A_261 : f32 to vector<16xf32>
      %mul3A_263 = arith.mulf %get3A_260, %mul3A_262 : vector<16xf32>
      %swap3A_264 = arith.index_cast %add3A_244 : i32 to index
      %swap3A_265 = arith.constant 16 : index
      %swap3A_266 = tpu.vector_load %arg6[%swap3A_264, %swap3A_265] {strides = array<i32>} : memref<256x128xf32, #tpu.memory_space<vmem>>, vector<1x16xf32>,
      %swap3A_267 = vector.shape_cast %swap3A_266 : vector<1x16xf32> to vector<16xf32>
      %swap3A_268 = vector.shape_cast %mul3A_263 : vector<16xf32> to vector<1x16xf32>
      tpu.vector_store %arg6[%swap3A_264, %swap3A_265], %swap3A_268 {strides = array<i32>} : memref<256x128xf32, #tpu.memory_space<vmem>>, vector<1x16xf32>,
      %get3A_269 = arith.index_cast %add3A_244 : i32 to index
      %get3A_270 = arith.constant 32 : index
      %get3A_271 = tpu.vector_load %arg6[%get3A_269, %get3A_270] {strides = array<i32>} : memref<256x128xf32, #tpu.memory_space<vmem>>, vector<1x16xf32>,
      %get3A_272 = vector.shape_cast %get3A_271 : vector<1x16xf32> to vector<16xf32>
      %mul3A_273 = arith.constant 11.3137083 : f32
      %mul3A_274 = vector.broadcast %mul3A_273 : f32 to vector<16xf32>
      %mul3A_275 = arith.mulf %get3A_272, %mul3A_274 : vector<16xf32>
      %swap3A_276 = arith.index_cast %add3A_244 : i32 to index
      %swap3A_277 = arith.constant 32 : index
      %swap3A_278 = tpu.vector_load %arg6[%swap3A_276, %swap3A_277] {strides = array<i32>} : memref<256x128xf32, #tpu.memory_space<vmem>>, vector<1x16xf32>,
      %swap3A_279 = vector.shape_cast %swap3A_278 : vector<1x16xf32> to vector<16xf32>
      %swap3A_280 = vector.shape_cast %mul3A_275 : vector<16xf32> to vector<1x16xf32>
      tpu.vector_store %arg6[%swap3A_276, %swap3A_277], %swap3A_280 {strides = array<i32>} : memref<256x128xf32, #tpu.memory_space<vmem>>, vector<1x16xf32>,
      %get3A_281 = arith.index_cast %add3A_244 : i32 to index
      %get3A_282 = arith.constant 48 : index
      %get3A_283 = tpu.vector_load %arg6[%get3A_281, %get3A_282] {strides = array<i32>} : memref<256x128xf32, #tpu.memory_space<vmem>>, vector<1x16xf32>,
      %get3A_284 = vector.shape_cast %get3A_283 : vector<1x16xf32> to vector<16xf32>
      %mul3A_285 = arith.constant 11.3137083 : f32
      %mul3A_286 = vector.broadcast %mul3A_285 : f32 to vector<16xf32>
      %mul3A_287 = arith.mulf %get3A_284, %mul3A_286 : vector<16xf32>
      %swap3A_288 = arith.index_cast %add3A_244 : i32 to index
      %swap3A_289 = arith.constant 48 : index
      %swap3A_290 = tpu.vector_load %arg6[%swap3A_288, %swap3A_289] {strides = array<i32>} : memref<256x128xf32, #tpu.memory_space<vmem>>, vector<1x16xf32>,
      %swap3A_291 = vector.shape_cast %swap3A_290 : vector<1x16xf32> to vector<16xf32>
      %swap3A_292 = vector.shape_cast %mul3A_287 : vector<16xf32> to vector<1x16xf32>
      tpu.vector_store %arg6[%swap3A_288, %swap3A_289], %swap3A_292 {strides = array<i32>} : memref<256x128xf32, #tpu.memory_space<vmem>>, vector<1x16xf32>,
      %get3A_293 = arith.index_cast %add3A_244 : i32 to index
      %get3A_294 = arith.constant 64 : index
      %get3A_295 = tpu.vector_load %arg6[%get3A_293, %get3A_294] {strides = array<i32>} : memref<256x128xf32, #tpu.memory_space<vmem>>, vector<1x16xf32>,
      %get3A_296 = vector.shape_cast %get3A_295 : vector<1x16xf32> to vector<16xf32>
      %mul3A_297 = arith.constant 11.3137083 : f32
      %mul3A_298 = vector.broadcast %mul3A_297 : f32 to vector<16xf32>
      %mul3A_299 = arith.mulf %get3A_296, %mul3A_298 : vector<16xf32>
      %swap3A_300 = arith.index_cast %add3A_244 : i32 to index
      %swap3A_301 = arith.constant 64 : index
      %swap3A_302 = tpu.vector_load %arg6[%swap3A_300, %swap3A_301] {strides = array<i32>} : memref<256x128xf32, #tpu.memory_space<vmem>>, vector<1x16xf32>,
      %swap3A_303 = vector.shape_cast %swap3A_302 : vector<1x16xf32> to vector<16xf32>
      %swap3A_304 = vector.shape_cast %mul3A_299 : vector<16xf32> to vector<1x16xf32>
      tpu.vector_store %arg6[%swap3A_300, %swap3A_301], %swap3A_304 {strides = array<i32>} : memref<256x128xf32, #tpu.memory_space<vmem>>, vector<1x16xf32>,
      %get3A_305 = arith.index_cast %add3A_244 : i32 to index
      %get3A_306 = arith.constant 80 : index
      %get3A_307 = tpu.vector_load %arg6[%get3A_305, %get3A_306] {strides = array<i32>} : memref<256x128xf32, #tpu.memory_space<vmem>>, vector<1x16xf32>,
      %get3A_308 = vector.shape_cast %get3A_307 : vector<1x16xf32> to vector<16xf32>
      %mul3A_309 = arith.constant 11.3137083 : f32
      %mul3A_310 = vector.broadcast %mul3A_309 : f32 to vector<16xf32>
      %mul3A_311 = arith.mulf %get3A_308, %mul3A_310 : vector<16xf32>
      %swap3A_312 = arith.index_cast %add3A_244 : i32 to index
      %swap3A_313 = arith.constant 80 : index
      %swap3A_314 = tpu.vector_load %arg6[%swap3A_312, %swap3A_313] {strides = array<i32>} : memref<256x128xf32, #tpu.memory_space<vmem>>, vector<1x16xf32>,
      %swap3A_315 = vector.shape_cast %swap3A_314 : vector<1x16xf32> to vector<16xf32>
      %swap3A_316 = vector.shape_cast %mul3A_311 : vector<16xf32> to vector<1x16xf32>
      tpu.vector_store %arg6[%swap3A_312, %swap3A_313], %swap3A_316 {strides = array<i32>} : memref<256x128xf32, #tpu.memory_space<vmem>>, vector<1x16xf32>,
      %get3A_317 = arith.index_cast %add3A_244 : i32 to index
      %get3A_318 = arith.constant 96 : index
      %get3A_319 = tpu.vector_load %arg6[%get3A_317, %get3A_318] {strides = array<i32>} : memref<256x128xf32, #tpu.memory_space<vmem>>, vector<1x16xf32>,
      %get3A_320 = vector.shape_cast %get3A_319 : vector<1x16xf32> to vector<16xf32>
      %mul3A_321 = arith.constant 11.3137083 : f32
      %mul3A_322 = vector.broadcast %mul3A_321 : f32 to vector<16xf32>
      %mul3A_323 = arith.mulf %get3A_320, %mul3A_322 : vector<16xf32>
      %swap3A_324 = arith.index_cast %add3A_244 : i32 to index
      %swap3A_325 = arith.constant 96 : index
      %swap3A_326 = tpu.vector_load %arg6[%swap3A_324, %swap3A_325] {strides = array<i32>} : memref<256x128xf32, #tpu.memory_space<vmem>>, vector<1x16xf32>,
      %swap3A_327 = vector.shape_cast %swap3A_326 : vector<1x16xf32> to vector<16xf32>
      %swap3A_328 = vector.shape_cast %mul3A_323 : vector<16xf32> to vector<1x16xf32>
      tpu.vector_store %arg6[%swap3A_324, %swap3A_325], %swap3A_328 {strides = array<i32>} : memref<256x128xf32, #tpu.memory_space<vmem>>, vector<1x16xf32>,
      %get3A_329 = arith.index_cast %add3A_244 : i32 to index
      %get3A_330 = arith.constant 112 : index
      %get3A_331 = tpu.vector_load %arg6[%get3A_329, %get3A_330] {strides = array<i32>} : memref<256x128xf32, #tpu.memory_space<vmem>>, vector<1x16xf32>,
      %get3A_332 = vector.shape_cast %get3A_331 : vector<1x16xf32> to vector<16xf32>
      %mul3A_333 = arith.constant 11.3137083 : f32
      %mul3A_334 = vector.broadcast %mul3A_333 : f32 to vector<16xf32>
      %mul3A_335 = arith.mulf %get3A_332, %mul3A_334 : vector<16xf32>
      %swap3A_336 = arith.index_cast %add3A_244 : i32 to index
      %swap3A_337 = arith.constant 112 : index
      %swap3A_338 = tpu.vector_load %arg6[%swap3A_336, %swap3A_337] {strides = array<i32>} : memref<256x128xf32, #tpu.memory_space<vmem>>, vector<1x16xf32>,
      %swap3A_339 = vector.shape_cast %swap3A_338 : vector<1x16xf32> to vector<16xf32>
      %swap3A_340 = vector.shape_cast %mul3A_335 : vector<16xf32> to vector<1x16xf32>
      tpu.vector_store %arg6[%swap3A_336, %swap3A_337], %swap3A_340 {strides = array<i32>} : memref<256x128xf32, #tpu.memory_space<vmem>>, vector<1x16xf32>,
      %scan3A_341 = arith.constant 2 : i32
      %scan3A_342 = arith.addi %scan3A_144, %scan3A_341 : i32
      %add3A_343 = arith.constant 128 : i32
      %add3A_344 = arith.addi %add3A_343, %scan3A_342 : i32
      %get3A_345 = arith.index_cast %add3A_344 : i32 to index
      %get3A_346 = arith.constant 0 : index
      %get3A_347 = tpu.vector_load %arg6[%get3A_345, %get3A_346] {strides = array<i32>} : memref<256x128xf32, #tpu.memory_space<vmem>>, vector<1x16xf32>,
      %get3A_348 = vector.shape_cast %get3A_347 : vector<1x16xf32> to vector<16xf32>
      %mul3A_349 = arith.constant 11.3137083 : f32
      %mul3A_350 = vector.broadcast %mul3A_349 : f32 to vector<16xf32>
      %mul3A_351 = arith.mulf %get3A_348, %mul3A_350 : vector<16xf32>
      %swap3A_352 = arith.index_cast %add3A_344 : i32 to index
      %swap3A_353 = arith.constant 0 : index
      %swap3A_354 = tpu.vector_load %arg6[%swap3A_352, %swap3A_353] {strides = array<i32>} : memref<256x128xf32, #tpu.memory_space<vmem>>, vector<1x16xf32>,
      %swap3A_355 = vector.shape_cast %swap3A_354 : vector<1x16xf32> to vector<16xf32>
      %swap3A_356 = vector.shape_cast %mul3A_351 : vector<16xf32> to vector<1x16xf32>
      tpu.vector_store %arg6[%swap3A_352, %swap3A_353], %swap3A_356 {strides = array<i32>} : memref<256x128xf32, #tpu.memory_space<vmem>>, vector<1x16xf32>,
      %get3A_357 = arith.index_cast %add3A_344 : i32 to index
      %get3A_358 = arith.constant 16 : index
      %get3A_359 = tpu.vector_load %arg6[%get3A_357, %get3A_358] {strides = array<i32>} : memref<256x128xf32, #tpu.memory_space<vmem>>, vector<1x16xf32>,
      %get3A_360 = vector.shape_cast %get3A_359 : vector<1x16xf32> to vector<16xf32>
      %mul3A_361 = arith.constant 11.3137083 : f32
      %mul3A_362 = vector.broadcast %mul3A_361 : f32 to vector<16xf32>
      %mul3A_363 = arith.mulf %get3A_360, %mul3A_362 : vector<16xf32>
      %swap3A_364 = arith.index_cast %add3A_344 : i32 to index
      %swap3A_365 = arith.constant 16 : index
      %swap3A_366 = tpu.vector_load %arg6[%swap3A_364, %swap3A_365] {strides = array<i32>} : memref<256x128xf32, #tpu.memory_space<vmem>>, vector<1x16xf32>,
      %swap3A_367 = vector.shape_cast %swap3A_366 : vector<1x16xf32> to vector<16xf32>
      %swap3A_368 = vector.shape_cast %mul3A_363 : vector<16xf32> to vector<1x16xf32>
      tpu.vector_store %arg6[%swap3A_364, %swap3A_365], %swap3A_368 {strides = array<i32>} : memref<256x128xf32, #tpu.memory_space<vmem>>, vector<1x16xf32>,
      %get3A_369 = arith.index_cast %add3A_344 : i32 to index
      %get3A_370 = arith.constant 32 : index
      %get3A_371 = tpu.vector_load %arg6[%get3A_369, %get3A_370] {strides = array<i32>} : memref<256x128xf32, #tpu.memory_space<vmem>>, vector<1x16xf32>,
      %get3A_372 = vector.shape_cast %get3A_371 : vector<1x16xf32> to vector<16xf32>
      %mul3A_373 = arith.constant 11.3137083 : f32
      %mul3A_374 = vector.broadcast %mul3A_373 : f32 to vector<16xf32>
      %mul3A_375 = arith.mulf %get3A_372, %mul3A_374 : vector<16xf32>
      %swap3A_376 = arith.index_cast %add3A_344 : i32 to index
      %swap3A_377 = arith.constant 32 : index
      %swap3A_378 = tpu.vector_load %arg6[%swap3A_376, %swap3A_377] {strides = array<i32>} : memref<256x128xf32, #tpu.memory_space<vmem>>, vector<1x16xf32>,
      %swap3A_379 = vector.shape_cast %swap3A_378 : vector<1x16xf32> to vector<16xf32>
      %swap3A_380 = vector.shape_cast %mul3A_375 : vector<16xf32> to vector<1x16xf32>
      tpu.vector_store %arg6[%swap3A_376, %swap3A_377], %swap3A_380 {strides = array<i32>} : memref<256x128xf32, #tpu.memory_space<vmem>>, vector<1x16xf32>,
      %get3A_381 = arith.index_cast %add3A_344 : i32 to index
      %get3A_382 = arith.constant 48 : index
      %get3A_383 = tpu.vector_load %arg6[%get3A_381, %get3A_382] {strides = array<i32>} : memref<256x128xf32, #tpu.memory_space<vmem>>, vector<1x16xf32>,
      %get3A_384 = vector.shape_cast %get3A_383 : vector<1x16xf32> to vector<16xf32>
      %mul3A_385 = arith.constant 11.3137083 : f32
      %mul3A_386 = vector.broadcast %mul3A_385 : f32 to vector<16xf32>
      %mul3A_387 = arith.mulf %get3A_384, %mul3A_386 : vector<16xf32>
      %swap3A_388 = arith.index_cast %add3A_344 : i32 to index
      %swap3A_389 = arith.constant 48 : index
      %swap3A_390 = tpu.vector_load %arg6[%swap3A_388, %swap3A_389] {strides = array<i32>} : memref<256x128xf32, #tpu.memory_space<vmem>>, vector<1x16xf32>,
      %swap3A_391 = vector.shape_cast %swap3A_390 : vector<1x16xf32> to vector<16xf32>
      %swap3A_392 = vector.shape_cast %mul3A_387 : vector<16xf32> to vector<1x16xf32>
      tpu.vector_store %arg6[%swap3A_388, %swap3A_389], %swap3A_392 {strides = array<i32>} : memref<256x128xf32, #tpu.memory_space<vmem>>, vector<1x16xf32>,
      %get3A_393 = arith.index_cast %add3A_344 : i32 to index
      %get3A_394 = arith.constant 64 : index
      %get3A_395 = tpu.vector_load %arg6[%get3A_393, %get3A_394] {strides = array<i32>} : memref<256x128xf32, #tpu.memory_space<vmem>>, vector<1x16xf32>,
      %get3A_396 = vector.shape_cast %get3A_395 : vector<1x16xf32> to vector<16xf32>
      %mul3A_397 = arith.constant 11.3137083 : f32
      %mul3A_398 = vector.broadcast %mul3A_397 : f32 to vector<16xf32>
      %mul3A_399 = arith.mulf %get3A_396, %mul3A_398 : vector<16xf32>
      %swap3A_400 = arith.index_cast %add3A_344 : i32 to index
      %swap3A_401 = arith.constant 64 : index
      %swap3A_402 = tpu.vector_load %arg6[%swap3A_400, %swap3A_401] {strides = array<i32>} : memref<256x128xf32, #tpu.memory_space<vmem>>, vector<1x16xf32>,
      %swap3A_403 = vector.shape_cast %swap3A_402 : vector<1x16xf32> to vector<16xf32>
      %swap3A_404 = vector.shape_cast %mul3A_399 : vector<16xf32> to vector<1x16xf32>
      tpu.vector_store %arg6[%swap3A_400, %swap3A_401], %swap3A_404 {strides = array<i32>} : memref<256x128xf32, #tpu.memory_space<vmem>>, vector<1x16xf32>,
      %get3A_405 = arith.index_cast %add3A_344 : i32 to index
      %get3A_406 = arith.constant 80 : index
      %get3A_407 = tpu.vector_load %arg6[%get3A_405, %get3A_406] {strides = array<i32>} : memref<256x128xf32, #tpu.memory_space<vmem>>, vector<1x16xf32>,
      %get3A_408 = vector.shape_cast %get3A_407 : vector<1x16xf32> to vector<16xf32>
      %mul3A_409 = arith.constant 11.3137083 : f32
      %mul3A_410 = vector.broadcast %mul3A_409 : f32 to vector<16xf32>
      %mul3A_411 = arith.mulf %get3A_408, %mul3A_410 : vector<16xf32>
      %swap3A_412 = arith.index_cast %add3A_344 : i32 to index
      %swap3A_413 = arith.constant 80 : index
      %swap3A_414 = tpu.vector_load %arg6[%swap3A_412, %swap3A_413] {strides = array<i32>} : memref<256x128xf32, #tpu.memory_space<vmem>>, vector<1x16xf32>,
      %swap3A_415 = vector.shape_cast %swap3A_414 : vector<1x16xf32> to vector<16xf32>
      %swap3A_416 = vector.shape_cast %mul3A_411 : vector<16xf32> to vector<1x16xf32>
      tpu.vector_store %arg6[%swap3A_412, %swap3A_413], %swap3A_416 {strides = array<i32>} : memref<256x128xf32, #tpu.memory_space<vmem>>, vector<1x16xf32>,
      %get3A_417 = arith.index_cast %add3A_344 : i32 to index
      %get3A_418 = arith.constant 96 : index
      %get3A_419 = tpu.vector_load %arg6[%get3A_417, %get3A_418] {strides = array<i32>} : memref<256x128xf32, #tpu.memory_space<vmem>>, vector<1x16xf32>,
      %get3A_420 = vector.shape_cast %get3A_419 : vector<1x16xf32> to vector<16xf32>
      %mul3A_421 = arith.constant 11.3137083 : f32
      %mul3A_422 = vector.broadcast %mul3A_421 : f32 to vector<16xf32>
      %mul3A_423 = arith.mulf %get3A_420, %mul3A_422 : vector<16xf32>
      %swap3A_424 = arith.index_cast %add3A_344 : i32 to index
      %swap3A_425 = arith.constant 96 : index
      %swap3A_426 = tpu.vector_load %arg6[%swap3A_424, %swap3A_425] {strides = array<i32>} : memref<256x128xf32, #tpu.memory_space<vmem>>, vector<1x16xf32>,
      %swap3A_427 = vector.shape_cast %swap3A_426 : vector<1x16xf32> to vector<16xf32>
      %swap3A_428 = vector.shape_cast %mul3A_423 : vector<16xf32> to vector<1x16xf32>
      tpu.vector_store %arg6[%swap3A_424, %swap3A_425], %swap3A_428 {strides = array<i32>} : memref<256x128xf32, #tpu.memory_space<vmem>>, vector<1x16xf32>,
      %get3A_429 = arith.index_cast %add3A_344 : i32 to index
      %get3A_430 = arith.constant 112 : index
      %get3A_431 = tpu.vector_load %arg6[%get3A_429, %get3A_430] {strides = array<i32>} : memref<256x128xf32, #tpu.memory_space<vmem>>, vector<1x16xf32>,
      %get3A_432 = vector.shape_cast %get3A_431 : vector<1x16xf32> to vector<16xf32>
      %mul3A_433 = arith.constant 11.3137083 : f32
      %mul3A_434 = vector.broadcast %mul3A_433 : f32 to vector<16xf32>
      %mul3A_435 = arith.mulf %get3A_432, %mul3A_434 : vector<16xf32>
      %swap3A_436 = arith.index_cast %add3A_344 : i32 to index
      %swap3A_437 = arith.constant 112 : index
      %swap3A_438 = tpu.vector_load %arg6[%swap3A_436, %swap3A_437] {strides = array<i32>} : memref<256x128xf32, #tpu.memory_space<vmem>>, vector<1x16xf32>,
      %swap3A_439 = vector.shape_cast %swap3A_438 : vector<1x16xf32> to vector<16xf32>
      %swap3A_440 = vector.shape_cast %mul3A_435 : vector<16xf32> to vector<1x16xf32>
      tpu.vector_store %arg6[%swap3A_436, %swap3A_437], %swap3A_440 {strides = array<i32>} : memref<256x128xf32, #tpu.memory_space<vmem>>, vector<1x16xf32>,
      %scan3A_441 = arith.constant 3 : i32
      %scan3A_442 = arith.addi %scan3A_144, %scan3A_441 : i32
      %add3A_443 = arith.constant 128 : i32
      %add3A_444 = arith.addi %add3A_443, %scan3A_442 : i32
      %get3A_445 = arith.index_cast %add3A_444 : i32 to index
      %get3A_446 = arith.constant 0 : index
      %get3A_447 = tpu.vector_load %arg6[%get3A_445, %get3A_446] {strides = array<i32>} : memref<256x128xf32, #tpu.memory_space<vmem>>, vector<1x16xf32>,
      %get3A_448 = vector.shape_cast %get3A_447 : vector<1x16xf32> to vector<16xf32>
      %mul3A_449 = arith.constant 11.3137083 : f32
      %mul3A_450 = vector.broadcast %mul3A_449 : f32 to vector<16xf32>
      %mul3A_451 = arith.mulf %get3A_448, %mul3A_450 : vector<16xf32>
      %swap3A_452 = arith.index_cast %add3A_444 : i32 to index
      %swap3A_453 = arith.constant 0 : index
      %swap3A_454 = tpu.vector_load %arg6[%swap3A_452, %swap3A_453] {strides = array<i32>} : memref<256x128xf32, #tpu.memory_space<vmem>>, vector<1x16xf32>,
      %swap3A_455 = vector.shape_cast %swap3A_454 : vector<1x16xf32> to vector<16xf32>
      %swap3A_456 = vector.shape_cast %mul3A_451 : vector<16xf32> to vector<1x16xf32>
      tpu.vector_store %arg6[%swap3A_452, %swap3A_453], %swap3A_456 {strides = array<i32>} : memref<256x128xf32, #tpu.memory_space<vmem>>, vector<1x16xf32>,
      %get3A_457 = arith.index_cast %add3A_444 : i32 to index
      %get3A_458 = arith.constant 16 : index
      %get3A_459 = tpu.vector_load %arg6[%get3A_457, %get3A_458] {strides = array<i32>} : memref<256x128xf32, #tpu.memory_space<vmem>>, vector<1x16xf32>,
      %get3A_460 = vector.shape_cast %get3A_459 : vector<1x16xf32> to vector<16xf32>
      %mul3A_461 = arith.constant 11.3137083 : f32
      %mul3A_462 = vector.broadcast %mul3A_461 : f32 to vector<16xf32>
      %mul3A_463 = arith.mulf %get3A_460, %mul3A_462 : vector<16xf32>
      %swap3A_464 = arith.index_cast %add3A_444 : i32 to index
      %swap3A_465 = arith.constant 16 : index
      %swap3A_466 = tpu.vector_load %arg6[%swap3A_464, %swap3A_465] {strides = array<i32>} : memref<256x128xf32, #tpu.memory_space<vmem>>, vector<1x16xf32>,
      %swap3A_467 = vector.shape_cast %swap3A_466 : vector<1x16xf32> to vector<16xf32>
      %swap3A_468 = vector.shape_cast %mul3A_463 : vector<16xf32> to vector<1x16xf32>
      tpu.vector_store %arg6[%swap3A_464, %swap3A_465], %swap3A_468 {strides = array<i32>} : memref<256x128xf32, #tpu.memory_space<vmem>>, vector<1x16xf32>,
      %get3A_469 = arith.index_cast %add3A_444 : i32 to index
      %get3A_470 = arith.constant 32 : index
      %get3A_471 = tpu.vector_load %arg6[%get3A_469, %get3A_470] {strides = array<i32>} : memref<256x128xf32, #tpu.memory_space<vmem>>, vector<1x16xf32>,
      %get3A_472 = vector.shape_cast %get3A_471 : vector<1x16xf32> to vector<16xf32>
      %mul3A_473 = arith.constant 11.3137083 : f32
      %mul3A_474 = vector.broadcast %mul3A_473 : f32 to vector<16xf32>
      %mul3A_475 = arith.mulf %get3A_472, %mul3A_474 : vector<16xf32>
      %swap3A_476 = arith.index_cast %add3A_444 : i32 to index
      %swap3A_477 = arith.constant 32 : index
      %swap3A_478 = tpu.vector_load %arg6[%swap3A_476, %swap3A_477] {strides = array<i32>} : memref<256x128xf32, #tpu.memory_space<vmem>>, vector<1x16xf32>,
      %swap3A_479 = vector.shape_cast %swap3A_478 : vector<1x16xf32> to vector<16xf32>
      %swap3A_480 = vector.shape_cast %mul3A_475 : vector<16xf32> to vector<1x16xf32>
      tpu.vector_store %arg6[%swap3A_476, %swap3A_477], %swap3A_480 {strides = array<i32>} : memref<256x128xf32, #tpu.memory_space<vmem>>, vector<1x16xf32>,
      %get3A_481 = arith.index_cast %add3A_444 : i32 to index
      %get3A_482 = arith.constant 48 : index
      %get3A_483 = tpu.vector_load %arg6[%get3A_481, %get3A_482] {strides = array<i32>} : memref<256x128xf32, #tpu.memory_space<vmem>>, vector<1x16xf32>,
      %get3A_484 = vector.shape_cast %get3A_483 : vector<1x16xf32> to vector<16xf32>
      %mul3A_485 = arith.constant 11.3137083 : f32
      %mul3A_486 = vector.broadcast %mul3A_485 : f32 to vector<16xf32>
      %mul3A_487 = arith.mulf %get3A_484, %mul3A_486 : vector<16xf32>
      %swap3A_488 = arith.index_cast %add3A_444 : i32 to index
      %swap3A_489 = arith.constant 48 : index
      %swap3A_490 = tpu.vector_load %arg6[%swap3A_488, %swap3A_489] {strides = array<i32>} : memref<256x128xf32, #tpu.memory_space<vmem>>, vector<1x16xf32>,
      %swap3A_491 = vector.shape_cast %swap3A_490 : vector<1x16xf32> to vector<16xf32>
      %swap3A_492 = vector.shape_cast %mul3A_487 : vector<16xf32> to vector<1x16xf32>
      tpu.vector_store %arg6[%swap3A_488, %swap3A_489], %swap3A_492 {strides = array<i32>} : memref<256x128xf32, #tpu.memory_space<vmem>>, vector<1x16xf32>,
      %get3A_493 = arith.index_cast %add3A_444 : i32 to index
      %get3A_494 = arith.constant 64 : index
      %get3A_495 = tpu.vector_load %arg6[%get3A_493, %get3A_494] {strides = array<i32>} : memref<256x128xf32, #tpu.memory_space<vmem>>, vector<1x16xf32>,
      %get3A_496 = vector.shape_cast %get3A_495 : vector<1x16xf32> to vector<16xf32>
      %mul3A_497 = arith.constant 11.3137083 : f32
      %mul3A_498 = vector.broadcast %mul3A_497 : f32 to vector<16xf32>
      %mul3A_499 = arith.mulf %get3A_496, %mul3A_498 : vector<16xf32>
      %swap3A_500 = arith.index_cast %add3A_444 : i32 to index
      %swap3A_501 = arith.constant 64 : index
      %swap3A_502 = tpu.vector_load %arg6[%swap3A_500, %swap3A_501] {strides = array<i32>} : memref<256x128xf32, #tpu.memory_space<vmem>>, vector<1x16xf32>,
      %swap3A_503 = vector.shape_cast %swap3A_502 : vector<1x16xf32> to vector<16xf32>
      %swap3A_504 = vector.shape_cast %mul3A_499 : vector<16xf32> to vector<1x16xf32>
      tpu.vector_store %arg6[%swap3A_500, %swap3A_501], %swap3A_504 {strides = array<i32>} : memref<256x128xf32, #tpu.memory_space<vmem>>, vector<1x16xf32>,
      %get3A_505 = arith.index_cast %add3A_444 : i32 to index
      %get3A_506 = arith.constant 80 : index
      %get3A_507 = tpu.vector_load %arg6[%get3A_505, %get3A_506] {strides = array<i32>} : memref<256x128xf32, #tpu.memory_space<vmem>>, vector<1x16xf32>,
      %get3A_508 = vector.shape_cast %get3A_507 : vector<1x16xf32> to vector<16xf32>
      %mul3A_509 = arith.constant 11.3137083 : f32
      %mul3A_510 = vector.broadcast %mul3A_509 : f32 to vector<16xf32>
      %mul3A_511 = arith.mulf %get3A_508, %mul3A_510 : vector<16xf32>
      %swap3A_512 = arith.index_cast %add3A_444 : i32 to index
      %swap3A_513 = arith.constant 80 : index
      %swap3A_514 = tpu.vector_load %arg6[%swap3A_512, %swap3A_513] {strides = array<i32>} : memref<256x128xf32, #tpu.memory_space<vmem>>, vector<1x16xf32>,
      %swap3A_515 = vector.shape_cast %swap3A_514 : vector<1x16xf32> to vector<16xf32>
      %swap3A_516 = vector.shape_cast %mul3A_511 : vector<16xf32> to vector<1x16xf32>
      tpu.vector_store %arg6[%swap3A_512, %swap3A_513], %swap3A_516 {strides = array<i32>} : memref<256x128xf32, #tpu.memory_space<vmem>>, vector<1x16xf32>,
      %get3A_517 = arith.index_cast %add3A_444 : i32 to index
      %get3A_518 = arith.constant 96 : index
      %get3A_519 = tpu.vector_load %arg6[%get3A_517, %get3A_518] {strides = array<i32>} : memref<256x128xf32, #tpu.memory_space<vmem>>, vector<1x16xf32>,
      %get3A_520 = vector.shape_cast %get3A_519 : vector<1x16xf32> to vector<16xf32>
      %mul3A_521 = arith.constant 11.3137083 : f32
      %mul3A_522 = vector.broadcast %mul3A_521 : f32 to vector<16xf32>
      %mul3A_523 = arith.mulf %get3A_520, %mul3A_522 : vector<16xf32>
      %swap3A_524 = arith.index_cast %add3A_444 : i32 to index
      %swap3A_525 = arith.constant 96 : index
      %swap3A_526 = tpu.vector_load %arg6[%swap3A_524, %swap3A_525] {strides = array<i32>} : memref<256x128xf32, #tpu.memory_space<vmem>>, vector<1x16xf32>,
      %swap3A_527 = vector.shape_cast %swap3A_526 : vector<1x16xf32> to vector<16xf32>
      %swap3A_528 = vector.shape_cast %mul3A_523 : vector<16xf32> to vector<1x16xf32>
      tpu.vector_store %arg6[%swap3A_524, %swap3A_525], %swap3A_528 {strides = array<i32>} : memref<256x128xf32, #tpu.memory_space<vmem>>, vector<1x16xf32>,
      %get3A_529 = arith.index_cast %add3A_444 : i32 to index
      %get3A_530 = arith.constant 112 : index
      %get3A_531 = tpu.vector_load %arg6[%get3A_529, %get3A_530] {strides = array<i32>} : memref<256x128xf32, #tpu.memory_space<vmem>>, vector<1x16xf32>,
      %get3A_532 = vector.shape_cast %get3A_531 : vector<1x16xf32> to vector<16xf32>
      %mul3A_533 = arith.constant 11.3137083 : f32
      %mul3A_534 = vector.broadcast %mul3A_533 : f32 to vector<16xf32>
      %mul3A_535 = arith.mulf %get3A_532, %mul3A_534 : vector<16xf32>
      %swap3A_536 = arith.index_cast %add3A_444 : i32 to index
      %swap3A_537 = arith.constant 112 : index
      %swap3A_538 = tpu.vector_load %arg6[%swap3A_536, %swap3A_537] {strides = array<i32>} : memref<256x128xf32, #tpu.memory_space<vmem>>, vector<1x16xf32>,
      %swap3A_539 = vector.shape_cast %swap3A_538 : vector<1x16xf32> to vector<16xf32>
      %swap3A_540 = vector.shape_cast %mul3A_535 : vector<16xf32> to vector<1x16xf32>
      tpu.vector_store %arg6[%swap3A_536, %swap3A_537], %swap3A_540 {strides = array<i32>} : memref<256x128xf32, #tpu.memory_space<vmem>>, vector<1x16xf32>,
    }
    %scan3A_111 = arith.constant 128 : i32
    %add3A_112 = arith.constant 128 : i32
    %add3A_113 = arith.addi %mul3A_2, %add3A_112 : i32
    %dma_start3A_114 = arith.constant 128 : i32
    %dma_start3A_115 = arith.constant 0 : i32
    %dma_start3A_116 = tpu.memref_slice %arg6[%dma_start3A_114, %dma_start3A_115] : memref<256x128xf32, #tpu.memory_space<vmem>> -> memref<128x128xf32, #tpu.memory_space<vmem>>
    %dma_start3A_117 = arith.constant 0 : i32
    %dma_start3A_118 = tpu.memref_slice %arg4[%add3A_113, %dma_start3A_117] : memref<8192x128xf32, #tpu.memory_space<hbm>> -> memref<128x128xf32, #tpu.memory_space<hbm>>
    %dma_start3A_119 = arith.constant 0 : i32
    %dma_start3A_120 = tpu.memref_slice %arg4[%add3A_113, %dma_start3A_119] : memref<8192x128xf32, #tpu.memory_space<hbm>> -> memref<128x128xf32, #tpu.memory_space<hbm>>
    %dma_start3A_121 = arith.constant 128 : i32
    %dma_start3A_122 = arith.constant 0 : i32
    %dma_start3A_123 = tpu.memref_slice %arg6[%dma_start3A_121, %dma_start3A_122] : memref<256x128xf32, #tpu.memory_space<vmem>> -> memref<128x128xf32, #tpu.memory_space<vmem>>
    tpu.enqueue_dma source(%dma_start3A_123 : memref<128x128xf32, #tpu.memory_space<vmem>>) target(%dma_start3A_120 : memref<128x128xf32, #tpu.memory_space<hbm>>) target_semaphore(%arg10 : memref<!tpu.dma_semaphore, #tpu.memory_space<semaphore_mem>>)
    %dma_wait3A_124 = arith.constant 0 : i32
    %dma_wait3A_125 = arith.constant 0 : i32
    %dma_wait3A_126 = tpu.memref_slice %arg6[%dma_wait3A_124, %dma_wait3A_125] : memref<256x128xf32, #tpu.memory_space<vmem>> -> memref<128x128xf32, #tpu.memory_space<vmem>>
    %dma_wait3A_127 = arith.constant 0 : i32
    %dma_wait3A_128 = tpu.memref_slice %arg4[%add3A_85, %dma_wait3A_127] : memref<8192x128xf32, #tpu.memory_space<hbm>> -> memref<128x128xf32, #tpu.memory_space<hbm>>
    %dma_wait3A_129 = arith.constant 0 : i32
    %dma_wait3A_130 = tpu.memref_slice %arg4[%add3A_85, %dma_wait3A_129] : memref<8192x128xf32, #tpu.memory_space<hbm>> -> memref<128x128xf32, #tpu.memory_space<hbm>>
    %dma_wait3A_131 = arith.constant 0 : i32
    %dma_wait3A_132 = arith.constant 0 : i32
    %dma_wait3A_133 = tpu.memref_slice %arg6[%dma_wait3A_131, %dma_wait3A_132] : memref<256x128xf32, #tpu.memory_space<vmem>> -> memref<128x128xf32, #tpu.memory_space<vmem>>
    tpu.wait_dma2 semaphore(%arg9 : memref<!tpu.dma_semaphore, #tpu.memory_space<semaphore_mem>>) src(%dma_wait3A_133 : memref<128x128xf32, #tpu.memory_space<vmem>>) dst(%dma_wait3A_130 : memref<128x128xf32, #tpu.memory_space<hbm>>)
    %dma_wait3A_134 = arith.constant 128 : i32
    %dma_wait3A_135 = arith.constant 0 : i32
    %dma_wait3A_136 = tpu.memref_slice %arg6[%dma_wait3A_134, %dma_wait3A_135] : memref<256x128xf32, #tpu.memory_space<vmem>> -> memref<128x128xf32, #tpu.memory_space<vmem>>
    %dma_wait3A_137 = arith.constant 0 : i32
    %dma_wait3A_138 = tpu.memref_slice %arg4[%add3A_113, %dma_wait3A_137] : memref<8192x128xf32, #tpu.memory_space<hbm>> -> memref<128x128xf32, #tpu.memory_space<hbm>>
    %dma_wait3A_139 = arith.constant 0 : i32
    %dma_wait3A_140 = tpu.memref_slice %arg4[%add3A_113, %dma_wait3A_139] : memref<8192x128xf32, #tpu.memory_space<hbm>> -> memref<128x128xf32, #tpu.memory_space<hbm>>
    %dma_wait3A_141 = arith.constant 128 : i32
    %dma_wait3A_142 = arith.constant 0 : i32
    %dma_wait3A_143 = tpu.memref_slice %arg6[%dma_wait3A_141, %dma_wait3A_142] : memref<256x128xf32, #tpu.memory_space<vmem>> -> memref<128x128xf32, #tpu.memory_space<vmem>>
    tpu.wait_dma2 semaphore(%arg10 : memref<!tpu.dma_semaphore, #tpu.memory_space<semaphore_mem>>) src(%dma_wait3A_143 : memref<128x128xf32, #tpu.memory_space<vmem>>) dst(%dma_wait3A_140 : memref<128x128xf32, #tpu.memory_space<hbm>>)
    return
  }
}

</mosaic_0001>

<sc_bundles>
// kernel: kernel.3.cloned.1.call-start
scs
__scs_entry_jumppad:
0x0: {  	(pc) =	sbr.rel $0x88, $3  }
0x1: {  	(tag) =	ssettag $0x0;
	lr =	simm.s32 $0x1  }
0x2: {  	[smem:$0x3F9F] =	sst lr;
	_ =	strace $0xD0000000  }
0x3: {  	_ = 	snop  }
0x4: {  	_ = 	snop  }
0x5: {  	_ = 	snop  }
0x6: {  	_ = 	snop  }
0x7: {  	_ = 	snop  }
__scs_overlays_trampoline_lowered:
0x8: {  	[smem:$0x3FAE] =	sst s0  }
0x9: {  	[smem:$0x3FAF] =	sst s1  }
0xa: {  	[smem:$0x3FB0] =	sst s2  }
0xb: {  	[smem:$0x3FB1] =	sst s3  }
0xc: {  	[smem:$0x3FB2] =	sst s4  }
0xd: {  	[smem:$0x3FB3] =	sst s5  }
0xe: {  	[smem:$0x3FB4] =	sst s6  }
0xf: {  	[smem:$0x3FB5] =	sst s7  }
0x10: {  	[smem:$0x3FB6] =	sst s8  }
0x11: {  	[smem:$0x3FB7] =	sst s9;
	s0 =	simm.s32 @!p0 $0x0  }
0x12: {  	s1 =	sld [smem:$0x3F9D];
	s0 =	simm.s32 @p0 $0x1  }
0x13: {  	[smem:$0x3FB8] =	sst s0;
	s0 =	simm.s32 @!p1 $0x0  }
0x14: {  	s2 =	sld [smem:$0x3F9C];
	s0 =	simm.s32 @p1 $0x1  }
0x15: {  	[smem:$0x3FB9] =	sst s0;
	s0 =	simm.s32 @!p2 $0x0  }
0x16: {  	s3 =	sld [smem:$0x3FDB];
	s0 =	simm.s32 @p2 $0x1  }
0x17: {  	s4 =	simm.s32 $0x1BF5;
	[smem:$0x3FBB] =	sst s0  }
0x18: {  	s0 =	sld [smem:$0x3F9E];
	_ =	swait.ge [sflag:s4], $0x0  }
0x19: {  	s7 =	sld [smem:$0x3F9F]  }
0x1a: {  	s8 =	sadd.s32 $0xFFFFE003, lr  }
0x1b: {  	s9 =	sadd.s32 $0xFFFFFEF7, lr;
	s5 =	simm.s32 $0xFFFFFFFF;
	p2 =	slt.u32 s8, $0xFFFFF086  }
0x1c: {  	p1 =	slt.u32 s9, $0xF7A;
	s5 =	simm.s32 @!p2 $0x0  }
0x1d: {  	s5 =	simm.s32 @p1 $0x1;
	p0 =	seq.s32 s7, s2  }
0x1e: {  	s7 =	smul.u32 @!p0 $0xF7A, s2;
	p2 =	seq.s32 @!p0 s5, $0x0  }
0x1f: {  	s9 =	smul.u32 $0xF7A, s1;
	s8 =	simm.s32 @!p0 $0x1BF5;
	p2 =	por !p2, p0  }
0x20: {  	[sflag:s8] =	ssyncset.s32 @!p0 $0xFFFFF086;
	s6 =	sadd.s32 @!p0 s3, s7;
	s7 =	simm.s32 @!p0 $0x108  }
0x21: {  	s3 =	sadd.s32 s3, s9;
	s6 =	sadd.s32 @!p0 $0x88, s6;
	s7 =	simm.s32 @p2 $0x1082  }
0x22: {  	[simem:s7], [sflag:s8] =	dma.local @!p0 [hbm:s6], $0xF7A  }
0x23: {  	s9 =	sor.u32 $0xD0000000, s2;
	s6 =	simm.s32 $0x108;
	_ =	swait.ge @!p0 [sflag:s8], $0x0  }
0x24: {  	s3 =	sadd.s32 $0x88, s3;
	s6 =	simm.s32 @!p1 $0x1082;
	[sflag:s4] =	ssyncset.s32 $0xFFFFF086  }
0x25: {  	[simem:s6], [sflag:s4] =	dma.local [hbm:s3], $0xF7A  }
0x26: {  	[smem:$0x3F9F] =	sst s1;
	(tag) =	ssettag s2;
	_ =	strace s9  }
0x27: {  	s1 =	sld [smem:$0x3FAF]  }
0x28: {  	s2 =	sld [smem:$0x3FB0]  }
0x29: {  	s4 =	sld [smem:$0x3FB2]  }
0x2a: {  	p0 =	seq.s32 s5, $0x0;
	s5 =	sld [smem:$0x3FB3]  }
0x2b: {  	s6 =	sld [smem:$0x3FB4]  }
0x2c: {  	s7 =	sld [smem:$0x3FB5]  }
0x2d: {  	s3 =	simm.s32 $0x108;
	s8 =	sld [smem:$0x3FB6]  }
0x2e: {  	s3 =	simm.s32 @!p0 $0x1082;
	s9 =	sld [smem:$0x3FB7]  }
0x2f: {  	lr =	sadd.s32 s0, s3;
	s0 =	sld [smem:$0x3FAE]  }
0x30: {  	s3 =	sld [smem:$0x3FB1]  }
0x31: {  	[smem:$0x3FBA] =	sst s10  }
0x32: {  	s10 =	sld [smem:$0x3FB8];
	_ =	sdelay $0x3  }
0x33: {  	p0 =	seq.s32 s10, $0x1;
	s10 =	sld [smem:$0x3FBA];
	_ =	sdelay $0x3  }
0x34: {  	[smem:$0x3FBA] =	sst s10  }
0x35: {  	s10 =	sld [smem:$0x3FB9];
	_ =	sdelay $0x3  }
0x36: {  	p1 =	seq.s32 s10, $0x1;
	s10 =	sld [smem:$0x3FBA];
	_ =	sdelay $0x3  }
0x37: {  	[smem:$0x3FBA] =	sst s10  }
0x38: {  	s10 =	sld [smem:$0x3FBB]  }
0x39: {  	_ = 	snop;
	(pc) =	sbr.ind lr, $3  }
0x3a: {  	_ = 	snop  }
0x3b: {  	_ = 	snop  }
0x3c: {  	p2 =	seq.s32 s10, $0x1;
	s10 =	sld [smem:$0x3FBA]  }
0x3d: {  	_ =	shalt  }
0x3e: {  	_ =	shalt  }
0x3f: {  	_ =	shalt  }
0x40: {  	_ =	shalt  }
0x41: {  	_ =	shalt  }
0x42: {  	_ =	shalt  }
0x43: {  	_ =	shalt  }
0x44: {  	_ =	shalt  }
0x45: {  	_ =	shalt  }
0x46: {  	_ =	shalt  }
0x47: {  	_ =	shalt  }
0x48: {  	_ =	shalt  }
0x49: {  	_ =	shalt  }
0x4a: {  	_ =	shalt  }
0x4b: {  	_ =	shalt  }
0x4c: {  	_ =	shalt  }
0x4d: {  	_ =	shalt  }
0x4e: {  	_ =	shalt  }
0x4f: {  	_ =	shalt  }
0x50: {  	_ =	shalt  }
0x51: {  	_ =	shalt  }
0x52: {  	_ =	shalt  }
0x53: {  	_ =	shalt  }
0x54: {  	_ =	shalt  }
0x55: {  	_ =	shalt  }
0x56: {  	_ =	shalt  }
0x57: {  	_ =	shalt  }
0x58: {  	_ =	shalt  }
0x59: {  	_ =	shalt  }
0x5a: {  	_ =	shalt  }
0x5b: {  	_ =	shalt  }
0x5c: {  	_ =	shalt  }
0x5d: {  	_ =	shalt  }
0x5e: {  	_ =	shalt  }
0x5f: {  	_ =	shalt  }
0x60: {  	_ =	shalt  }
0x61: {  	_ =	shalt  }
0x62: {  	_ =	shalt  }
0x63: {  	_ =	shalt  }
0x64: {  	_ =	shalt  }
0x65: {  	_ =	shalt  }
0x66: {  	_ =	shalt  }
0x67: {  	_ =	shalt  }
0x68: {  	_ =	shalt  }
0x69: {  	_ =	shalt  }
0x6a: {  	_ =	shalt  }
0x6b: {  	_ =	shalt  }
0x6c: {  	_ =	shalt  }
0x6d: {  	_ =	shalt  }
0x6e: {  	_ =	shalt  }
0x6f: {  	_ =	shalt  }
0x70: {  	_ =	shalt  }
0x71: {  	_ =	shalt  }
0x72: {  	_ =	shalt  }
0x73: {  	_ =	shalt  }
0x74: {  	_ =	shalt  }
0x75: {  	_ =	shalt  }
0x76: {  	_ =	shalt  }
0x77: {  	_ =	shalt  }
0x78: {  	_ =	shalt  }
0x79: {  	_ =	shalt  }
0x7a: {  	_ =	shalt  }
0x7b: {  	_ =	shalt  }
0x7c: {  	_ =	shalt  }
0x7d: {  	_ =	shalt  }
0x7e: {  	_ =	shalt  }
0x7f: {  	_ =	shalt  }
0x80: {  	_ =	shalt  }
0x81: {  	_ =	shalt  }
0x82: {  	_ =	shalt  }
0x83: {  	_ =	shalt  }
0x84: {  	_ =	shalt  }
0x85: {  	_ =	shalt  }
0x86: {  	_ =	shalt  }
0x87: {  	_ =	shalt  }
.Lfunc_end0:
.L_simem_size_0:
called_computation_lowered:
.L_overlay_start_0:
0x88: {  	s2 =	sld [smem:$0x3FD9]  }
0x89: {  	s3 =	sld [smem:$0x3FFE];
	_ =	sdelay $0x1  }
0x8a: {  	s1 =	srdreg.scid  }
0x8b: {  	s0 =	sand.u32 $0x1, s1  }
0x8c: {  	s17 =	sshll.u32 s0, $0xA;
	s2 =	sadd.s32 s3, s2  }
0x8d: {  	s2 =	sadd.s32 s2, s17  }
0x8e: {  	[smem:$0x3FC6] =	sst s2  }
0x8f: {  	_ = 	snop  }
0x90: {  	s2 =	sld [smem:$0x3FC8]  }
0x91: {  	s18 =	sld [smem:$0x3FD0];
	(tm) =	ssettm $0x1  }
0x92: {  	s4 =	sld [smem:$0x3FFB];
	_ =	sdelay $0x3  }
0x93: {  	_ =	strace s4  }
0x94: {  	s4 =	sld [smem:$0x3FFC];
	_ =	sdelay $0x3  }
0x95: {  	_ =	strace s4  }
0x96: {  	s4 =	sld [smem:$0x3FFD];
	_ =	sdelay $0x3  }
0x97: {  	_ =	strace s4  }
0x98: {  	_ =	strace $0x8FFFFFFF  }
0x99: {  	s19 =	sld [smem:$0x3FDB];
	_ =	sdelay $0x1  }
0x9a: {  	s5 =	simm.s32 $_scs_section_size  }
0x9b: {  	s6 =	simm.s32 $_size__tile_overlayer_lowered;
	s7 =	simm.s32 $_tile_overlayer_lowered  }
0x9c: {  	s22 =	simm.s32 $0x1BFF;
	s21 =	sshll.u32 s7, $0x1;
	s4 =	sadd.s32 s5, s19  }
0x9d: {  	s8 =	simm.s32 $0x0;
	s20 =	sshll.u32 s6, $0x1;
	s6 =	sadd.s32 s21, s4  }
0x9e: {  	[timem:s8], [sflag:s22] =	dma.local [hbm:s6], s20  }
0x9f: {  	_ =	swait.ge [sflag:s22], s20  }
0xa0: {  	s5 =	ssub.s32 $0x0, s20;
	[sflag:s22] =	ssyncset.done $0x0  }
0xa1: {  	[sflag:s22] =	ssyncadd.s32 s5;
	_ =	sdelay $0x1  }
0xa2: {  	s23 =	simm.s32 $0x1B8B  }
0xa3: {  	_ =	swait.ge [sflag:s23], $0x1  }
0xa4: {  	[sflag:s23] =	ssyncset.done $0x0  }
0xa5: {  	s25 =	simm.s32 $0x1B8E;
	s24 =	sld [smem:$0x3FFE];
	[sflag:s23] =	ssyncadd.s32 $0xFFFFFFFF  }
0xa6: {  	s26 =	simm.s32 $execute0_lowered;
	[smem:$0x3FD2] =	sst s25  }
0xa7: {  	s6 =	sshll.u32 s26, $0x1;
	_ =	strace $0x80000046;
	[dreg:$0x1] =	wrdreg $0xFFFFFFFF  }
0xa8: {  	s28 =	simm.s32 $_size_execute0_lowered;
	s4 =	sadd.s32 s4, s6;
	[dreg:$0x0] =	wrdreg $0x0  }
0xa9: {  	s6 =	sshll.u32 s28, $0x1;
	[dreg:$0x2] =	wrdreg s4  }
0xaa: {  	[dreg:$0x3] =	wrdreg s6  }
0xab: {  	[dreg:$0x4] =	wrdreg $0xC0  }
0xac: {  	_ =	task [dreg:s8], $0x5FFFF  }
0xad: {  	[dreg:$0x1] =	wrdreg $0xFFFFFFFF  }
0xae: {  	[dreg:$0x0] =	wrdreg $0x60  }
0xaf: {  	[dreg:$0x2] =	wrdreg s24  }
0xb0: {  	[dreg:$0x3] =	wrdreg s2  }
0xb1: {  	[dreg:$0x4] =	wrdreg s18  }
0xb2: {  	[dreg:$0x5] =	wrdreg $0x9  }
0xb3: {  	_ =	task.clear_ibuf [dreg:s8], $0x6FFFF;
	_ =	strace $0x90000046  }
0xb4: {  	s29 =	simm.s32 $0x9;
	_ =	strace $0x80000048  }
0xb5: {  	_ =	swait.ge [sflag:s29], $0x1  }
0xb6: {  	[sflag:s29] =	ssyncadd.s32 $0xFFFFFFFF  }
0xb7: {  	_ =	strace $0x90000048  }
0xb8: {  	_ =	sfence  }
0xb9: {  	s30 =	sld [smem:$0x0];
	_ =	sdelay $0x2  }
0xba: {  	s31 =	sshll.u32 s1, $0xD;
	s1 =	sshrl.u32 s1, $0x2  }
0xbb: {  	s3 =	sand.u32 $0x4000, s31;
	s1 =	sadd.s32 s1, s30  }
0xbc: {  	s0 =	sor.u32 s3, s0;
	s1 =	sshll.u32 s1, $0x11  }
0xbd: {  	s0 =	sor.u32 s1, s0  }
0xbe: {  	s0 =	sadd.s32 $0x8F2B, s0  }
0xbf: {  	[sflag:s0] =	ssyncadd.remote.s32 $0x1  }
0xc0: {  	_ =	sfence.sel $0xFFFF  }
0xc1: {  	[dreg:$0x0] =	wrdreg $0xFFFFFFFF;
	(pc) =	sbr.abs _section_cstart, $3  }
0xc2: {  	[dreg:$0x1] =	wrdreg $0xFFFFFFFF  }
0xc3: {  	_ =	task.clear_ibuf [dreg:s8], $0x2FFFF;
	_ =	strace $0x9FFFFFFF  }
0xc4: {  	(tm) =	ssettm $0x7FFFFFFF  }
0xc5: {  	_ =	shalt  }
tec
execute0_lowered:
.L_overlay_start_1:
0x0: {  	(tag) =	ssettag $0x1  }
0x1: {  	s4 =	rddreg [dreg:$0x0]  }
0x2: {  	s2 =	rddreg [dreg:$0x1]  }
0x3: {  	s6 =	rddreg [dreg:$0x2]  }
0x4: {  	s0 =	rddreg [dreg:$0x3]  }
0x5: {  	s5 =	srdreg.scid;
	s1 =	stileid.u32  }
0x6: {  	s3 =	simm.s32 $0x0;
	s10 =	simm.s32 $0x5;
	s11 =	simm.s32 $0x100  }
0x7: {  	s12 =	simm.s32 $0x6;
	s13 =	simm.s32 $0x4100;
	s14 =	simm.s32 $0x1  }
0x8: {  	s15 =	simm.s32 $0x2;
	s16 =	simm.s32 $0x3;
	s17 =	simm.s32 $0x4  }
0x9: {  	s18 =	simm.s32 $0x0;
	s5 =	sand.u32 $0x1, s5;
	s7 =	sshll.u32 s1, $0x1  }
0xa: {  	[smem:$0x7FF] =	sst s3;
	s7 =	sor.u32 s5, s7;
	s5 =	ssub.s32 $0x2, s5  }
0xb: {  	_ =	strace $0x80000047;
	s8 =	sshll.u32 s7, $0x5;
	s9 =	sshrl.u32 s5, $0x1  }
0xc: {  	s7 =	sshll.u32 s7, $0xC;
	s8 =	sadd.s32 s8, s4;
	s9 =	ssub.s32 s5, s9  }
0xd: {  	s6 =	sadd.s32 s6, s7;
	s4 =	sadd.s32 $0x400, s8;
	s5 =	sadd.s32 $0x410, s8  }
0xe: {  	s7 =	sadd.s32 $0x800, s6;
	s8 =	smax.u32 s9, $0x1;
	s9 =	simm.s32 $0x80  }
.LBB2_1:
0xf: {  	[tilespmem:s3], [sflag:$0x5] =	stream.linear.gather [hbm4b:s4+s3], $0x80, $0x38;
	[tilespmem:$0x8100] =	vst v63  }
0x10: {  	_ = 	snop  }
0x11: {  	[tilespmem:s9], [sflag:$0x6] =	stream.linear.gather [hbm4b:s5+s3], $0x80, $0x38;
	[tilespmem:$0x8100] =	vst v63  }
0x12: {  	_ =	swait.ge [sflag:s10], $0x80  }
0x13: {  	[sflag:s10] =	ssyncset.done $0x0  }
0x14: {  	[sflag:s10] =	ssyncadd.s32 $0xFFFFFF80  }
0x15: {  	[tilespmem:s11], [sflag:$0x1] =	stream.indirect.gather [hbm4b:s2+s9], $0x80, s3, s9, $0xb8;
	[tilespmem:$0x8100] =	vst v63  }
0x16: {  	_ =	swait.ge [sflag:s12], $0x80  }
0x17: {  	[sflag:s12] =	ssyncset.done $0x0  }
0x18: {  	[sflag:s12] =	ssyncadd.s32 $0xFFFFFF80  }
0x19: {  	[tilespmem:s13], [sflag:$0x2] =	stream.indirect.gather [hbm4b:s2+s9], $0x80, s9, s9, $0xb8;
	[tilespmem:$0x8100] =	vst v63  }
0x1a: {  	_ =	swait.ge [sflag:s14], $0x4000  }
0x1b: {  	[sflag:s14] =	ssyncset.done $0x0  }
0x1c: {  	s19 =	simm.s32 $0x200;
	[sflag:s14] =	ssyncadd.s32 $0xFFFFC000  }
0x1d: {  	v0 =	vld [tilespmem:s19+$0xFFFFFF00]  }
0x1e: {  	v1 =	vld [tilespmem:s19+$0xFFFFFF10]  }
0x1f: {  	v2 =	vld [tilespmem:s19+$0xFFFFFF20]  }
0x20: {  	v3 =	vld [tilespmem:s19+$0xFFFFFF30]  }
0x21: {  	v4 =	vld [tilespmem:s19+$0xFFFFFF40]  }
0x22: {  	v5 =	vld [tilespmem:s19+$0xFFFFFF50];
	v0 =	vmul.f32 $1.131370830e+01, v0  }
0x23: {  	v6 =	vld [tilespmem:s19+$0xFFFFFF60];
	v1 =	vmul.f32 $1.131370830e+01, v1  }
0x24: {  	[tilespmem:s19+$0xFFFFFF00] =	vst v0;
	v0 =	vmul.f32 $1.131370830e+01, v2;
	v2 =	vld [tilespmem:s19+$0xFFFFFF70]  }
0x25: {  	[tilespmem:s19+$0xFFFFFF10] =	vst v1;
	v1 =	vmul.f32 $1.131370830e+01, v3;
	v3 =	vld [tilespmem:s19+$0xFFFFFF80]  }
0x26: {  	[tilespmem:s19+$0xFFFFFF20] =	vst v0;
	v0 =	vmul.f32 $1.131370830e+01, v4;
	v4 =	vld [tilespmem:s19+$0xFFFFFF90]  }
0x27: {  	[tilespmem:s19+$0xFFFFFF30] =	vst v1;
	v1 =	vmul.f32 $1.131370830e+01, v5;
	v5 =	vld [tilespmem:s19+$0xFFFFFFA0]  }
0x28: {  	[tilespmem:s19+$0xFFFFFF40] =	vst v0;
	v0 =	vmul.f32 $1.131370830e+01, v6;
	v6 =	vld [tilespmem:s19+$0xFFFFFFB0]  }
0x29: {  	[tilespmem:s19+$0xFFFFFF50] =	vst v1;
	v1 =	vmul.f32 $1.131370830e+01, v2;
	v2 =	vld [tilespmem:s19+$0xFFFFFFC0]  }
0x2a: {  	[tilespmem:s19+$0xFFFFFF60] =	vst v0;
	v0 =	vmul.f32 $1.131370830e+01, v3;
	v3 =	vld [tilespmem:s19+$0xFFFFFFD0]  }
0x2b: {  	[tilespmem:s19+$0xFFFFFF70] =	vst v1;
	v1 =	vmul.f32 $1.131370830e+01, v4;
	v4 =	vld [tilespmem:s19+$0xFFFFFFE0]  }
0x2c: {  	[tilespmem:s19+$0xFFFFFF80] =	vst v0;
	v0 =	vmul.f32 $1.131370830e+01, v5;
	v5 =	vld [tilespmem:s19+$0x0]  }
0x2d: {  	[tilespmem:s19+$0xFFFFFF90] =	vst v1;
	v1 =	vmul.f32 $1.131370830e+01, v6;
	v6 =	vld [tilespmem:s19+$0x10]  }
0x2e: {  	[tilespmem:s19+$0xFFFFFFA0] =	vst v0;
	v0 =	vmul.f32 $1.131370830e+01, v2;
	v2 =	vld [tilespmem:s19+$0x20]  }
0x2f: {  	[tilespmem:s19+$0xFFFFFFB0] =	vst v1;
	v1 =	vmul.f32 $1.131370830e+01, v3;
	v3 =	vld [tilespmem:s19+$0x30]  }
0x30: {  	[tilespmem:s19+$0xFFFFFFC0] =	vst v0;
	v0 =	vmul.f32 $1.131370830e+01, v4;
	v4 =	vld [tilespmem:s19+$0x40]  }
0x31: {  	[tilespmem:s19+$0xFFFFFFD0] =	vst v1;
	v1 =	vmul.f32 $1.131370830e+01, v5;
	v5 =	vld [tilespmem:s19+$0x50]  }
0x32: {  	[tilespmem:s19+$0xFFFFFFE0] =	vst v0;
	v0 =	vmul.f32 $1.131370830e+01, v6;
	v6 =	vld [tilespmem:s19+$0x60]  }
0x33: {  	[tilespmem:s19+$0x0] =	vst v1;
	v1 =	vmul.f32 $1.131370830e+01, v2;
	v2 =	vld [tilespmem:s19+$0x70]  }
0x34: {  	[tilespmem:s19+$0x10] =	vst v0;
	v0 =	vmul.f32 $1.131370830e+01, v3;
	v3 =	vld [tilespmem:s19+$0x80]  }
0x35: {  	[tilespmem:s19+$0x20] =	vst v1;
	v1 =	vmul.f32 $1.131370830e+01, v4;
	v4 =	vld [tilespmem:s19+$0x90]  }
0x36: {  	[tilespmem:s19+$0x30] =	vst v0;
	v0 =	vmul.f32 $1.131370830e+01, v5;
	v5 =	vld [tilespmem:s19+$0xA0]  }
0x37: {  	[tilespmem:s19+$0x40] =	vst v1;
	v1 =	vmul.f32 $1.131370830e+01, v6;
	v6 =	vld [tilespmem:s19+$0xB0]  }
0x38: {  	[tilespmem:s19+$0x50] =	vst v0;
	v2 =	vmul.f32 $1.131370830e+01, v2;
	v0 =	vld [tilespmem:s19+$0xC0]  }
0x39: {  	[tilespmem:s19+$0x60] =	vst v1;
	v3 =	vmul.f32 $1.131370830e+01, v3;
	v1 =	vld [tilespmem:s19+$0xD0]  }
0x3a: {  	[tilespmem:s19+$0x70] =	vst v2;
	v7 =	vmul.f32 $1.131370830e+01, v4;
	v2 =	vld [tilespmem:s19+$0xE0]  }
0x3b: {  	[tilespmem:s19+$0x80] =	vst v3;
	v3 =	vld [tilespmem:s19+$0xF0];
	v5 =	vmul.f32 $1.131370830e+01, v5  }
0x3c: {  	s20 =	simm.s32 $0x0;
	s21 =	simm.s32 $0x400;
	v4 =	vld [tilespmem:s19+$0xFFFFFFF0];
	[tilespmem:s19+$0x90] =	vst v7;
	v6 =	vmul.f32 $1.131370830e+01, v6  }
.LBB2_2:
0x3d: {  	v7 =	vld [tilespmem:s21+$0xFFFFFF00];
	[tilespmem:s19+$0xA0] =	vst v5;
	v0 =	vmul.f32 $1.131370830e+01, v0  }
0x3e: {  	v5 =	vld [tilespmem:s21+$0xFFFFFF10];
	[tilespmem:s19+$0xB0] =	vst v6;
	v1 =	vmul.f32 $1.131370830e+01, v1  }
0x3f: {  	v6 =	vld [tilespmem:s21+$0xFFFFFF20];
	[tilespmem:s19+$0xC0] =	vst v0;
	v0 =	vmul.f32 $1.131370830e+01, v2  }
0x40: {  	v2 =	vld [tilespmem:s21+$0xFFFFFF30];
	[tilespmem:s19+$0xD0] =	vst v1;
	v1 =	vmul.f32 $1.131370830e+01, v3  }
0x41: {  	v3 =	vld [tilespmem:s21+$0xFFFFFF40];
	v4 =	vmul.f32 $1.131370830e+01, v4;
	[tilespmem:s19+$0xE0] =	vst v0  }
0x42: {  	v0 =	vmul.f32 $1.131370830e+01, v7;
	v7 =	vld [tilespmem:s21+$0xFFFFFF50];
	[tilespmem:s19+$0xF0] =	vst v1  }
0x43: {  	v1 =	vmul.f32 $1.131370830e+01, v5;
	v5 =	vld [tilespmem:s21+$0xFFFFFF60];
	[tilespmem:s19+$0xFFFFFFF0] =	vst v4;
	s19 =	smov.u32 s21  }
0x44: {  	[tilespmem:s21+$0xFFFFFF00] =	vst v0;
	v0 =	vmul.f32 $1.131370830e+01, v6;
	v4 =	vld [tilespmem:s21+$0xFFFFFF70]  }
0x45: {  	[tilespmem:s21+$0xFFFFFF10] =	vst v1;
	v1 =	vmul.f32 $1.131370830e+01, v2;
	v2 =	vld [tilespmem:s21+$0xFFFFFF80]  }
0x46: {  	[tilespmem:s21+$0xFFFFFF20] =	vst v0;
	v0 =	vmul.f32 $1.131370830e+01, v3;
	v3 =	vld [tilespmem:s21+$0xFFFFFF90]  }
0x47: {  	[tilespmem:s21+$0xFFFFFF30] =	vst v1;
	v1 =	vmul.f32 $1.131370830e+01, v7;
	v6 =	vld [tilespmem:s21+$0xFFFFFFA0]  }
0x48: {  	[tilespmem:s21+$0xFFFFFF40] =	vst v0;
	v0 =	vmul.f32 $1.131370830e+01, v5;
	v5 =	vld [tilespmem:s21+$0xFFFFFFB0]  }
0x49: {  	[tilespmem:s21+$0xFFFFFF50] =	vst v1;
	v1 =	vmul.f32 $1.131370830e+01, v4;
	v4 =	vld [tilespmem:s21+$0xFFFFFFC0]  }
0x4a: {  	[tilespmem:s21+$0xFFFFFF60] =	vst v0;
	v0 =	vmul.f32 $1.131370830e+01, v2;
	v2 =	vld [tilespmem:s21+$0xFFFFFFD0]  }
0x4b: {  	[tilespmem:s21+$0xFFFFFF70] =	vst v1;
	v1 =	vmul.f32 $1.131370830e+01, v3;
	v3 =	vld [tilespmem:s21+$0xFFFFFFE0]  }
0x4c: {  	[tilespmem:s21+$0xFFFFFF80] =	vst v0;
	v0 =	vmul.f32 $1.131370830e+01, v6;
	v6 =	vld [tilespmem:s21+$0x0]  }
0x4d: {  	[tilespmem:s21+$0xFFFFFF90] =	vst v1;
	v1 =	vmul.f32 $1.131370830e+01, v5;
	v5 =	vld [tilespmem:s21+$0x10]  }
0x4e: {  	[tilespmem:s21+$0xFFFFFFA0] =	vst v0;
	v0 =	vmul.f32 $1.131370830e+01, v4;
	v4 =	vld [tilespmem:s21+$0x20]  }
0x4f: {  	[tilespmem:s21+$0xFFFFFFB0] =	vst v1;
	v1 =	vmul.f32 $1.131370830e+01, v2;
	v2 =	vld [tilespmem:s21+$0x30]  }
0x50: {  	[tilespmem:s21+$0xFFFFFFC0] =	vst v0;
	v0 =	vmul.f32 $1.131370830e+01, v3;
	v3 =	vld [tilespmem:s21+$0x40]  }
0x51: {  	[tilespmem:s21+$0xFFFFFFD0] =	vst v1;
	v1 =	vmul.f32 $1.131370830e+01, v6;
	v6 =	vld [tilespmem:s21+$0x50]  }
0x52: {  	[tilespmem:s21+$0xFFFFFFE0] =	vst v0;
	v0 =	vmul.f32 $1.131370830e+01, v5;
	v5 =	vld [tilespmem:s21+$0x60]  }
0x53: {  	[tilespmem:s21+$0x0] =	vst v1;
	v1 =	vmul.f32 $1.131370830e+01, v4;
	v4 =	vld [tilespmem:s21+$0x70]  }
0x54: {  	[tilespmem:s21+$0x10] =	vst v0;
	v0 =	vmul.f32 $1.131370830e+01, v2;
	v2 =	vld [tilespmem:s21+$0x80]  }
0x55: {  	[tilespmem:s21+$0x20] =	vst v1;
	v1 =	vmul.f32 $1.131370830e+01, v3;
	v3 =	vld [tilespmem:s21+$0x90]  }
0x56: {  	s20 =	sadd.s32 $0x4, s20;
	[tilespmem:s21+$0x30] =	vst v0;
	v0 =	vmul.f32 $1.131370830e+01, v6;
	v6 =	vld [tilespmem:s21+$0xA0]  }
0x57: {  	p0 =	slt.u32 s20, $0x7C;
	[tilespmem:s21+$0x40] =	vst v1;
	v1 =	vmul.f32 $1.131370830e+01, v5;
	v7 =	vld [tilespmem:s21+$0xB0]  }
.Ltmp0:
0x58: {  	[tilespmem:s21+$0x50] =	vst v0;
	v4 =	vmul.f32 $1.131370830e+01, v4;
	v0 =	vld [tilespmem:s21+$0xC0];
	(pc) =	sbr.rel @p0 .LBB2_2-.Ltmp0, $4  }
0x59: {  	[tilespmem:s21+$0x60] =	vst v1;
	v5 =	vmul.f32 $1.131370830e+01, v2;
	v1 =	vld [tilespmem:s21+$0xD0]  }
0x5a: {  	[tilespmem:s21+$0x70] =	vst v4;
	v8 =	vmul.f32 $1.131370830e+01, v3;
	v2 =	vld [tilespmem:s21+$0xE0]  }
0x5b: {  	[tilespmem:s21+$0x80] =	vst v5;
	v5 =	vmul.f32 $1.131370830e+01, v6;
	v3 =	vld [tilespmem:s21+$0xF0]  }
0x5c: {  	s21 =	sadd.s32 $0x200, s21;
	v4 =	vld [tilespmem:s19+$0xFFFFFFF0];
	[tilespmem:s19+$0x90] =	vst v8;
	v6 =	vmul.f32 $1.131370830e+01, v7  }
0x5d: {  	[tilespmem:s19+$0xA0] =	vst v5;
	v0 =	vmul.f32 $1.131370830e+01, v0  }
0x5e: {  	[tilespmem:s19+$0xB0] =	vst v6;
	v1 =	vmul.f32 $1.131370830e+01, v1  }
0x5f: {  	[tilespmem:s19+$0xC0] =	vst v0;
	v0 =	vmul.f32 $1.131370830e+01, v2  }
0x60: {  	[tilespmem:s19+$0xD0] =	vst v1;
	v1 =	vmul.f32 $1.131370830e+01, v3  }
0x61: {  	v2 =	vmul.f32 $1.131370830e+01, v4;
	[tilespmem:s19+$0xE0] =	vst v0  }
0x62: {  	[tilespmem:s19+$0xF0] =	vst v1  }
0x63: {  	[tilespmem:s19+$0xFFFFFFF0] =	vst v2  }
0x64: {  	[hbm4b:s6+s3] =	stream.linear.scatter [tilespmem:s11], [sflag:$0x3], $0x4000, $0x38;
	[tilespmem:$0x8100] =	vst v63  }
0x65: {  	_ =	swait.ge [sflag:s15], $0x4000  }
0x66: {  	[sflag:s15] =	ssyncset.done $0x0  }
0x67: {  	s19 =	simm.s32 $0x4100;
	[sflag:s15] =	ssyncadd.s32 $0xFFFFC000  }
0x68: {  	v0 =	vld [tilespmem:s19+$0x1A0]  }
0x69: {  	v1 =	vld [tilespmem:s19+$0xA0]  }
0x6a: {  	v2 =	vld [tilespmem:s19+$0x90]  }
0x6b: {  	v3 =	vld [tilespmem:s19+$0x80]  }
0x6c: {  	v4 =	vld [tilespmem:s19+$0xB0]  }
0x6d: {  	v5 =	vld [tilespmem:s19+$0x70]  }
0x6e: {  	v6 =	vld [tilespmem:s19+$0xC0]  }
0x6f: {  	v12 =	vld [tilespmem:s19+$0x60]  }
0x70: {  	v7 =	vld [tilespmem:s19+$0xD0]  }
0x71: {  	v8 =	vld [tilespmem:s19+$0xE0]  }
0x72: {  	v9 =	vld [tilespmem:s19+$0x1D0]  }
0x73: {  	v10 =	vld [tilespmem:s19+$0x1E0]  }
0x74: {  	v11 =	vld [tilespmem:s19+$0x0]  }
0x75: {  	v13 =	vld [tilespmem:s19+$0xF0]  }
0x76: {  	v14 =	vld [tilespmem:s19+$0x100];
	v0 =	vmul.f32 $1.131370830e+01, v0  }
0x77: {  	v15 =	vld [tilespmem:s19+$0x110];
	v9 =	vmul.f32 $1.131370830e+01, v9  }
0x78: {  	v16 =	vld [tilespmem:s19+$0x120];
	v17 =	vmul.f32 $1.131370830e+01, v8;
	[tilespmem:s19+$0x1A0] =	vst v0  }
0x79: {  	v18 =	vld [tilespmem:s19+$0x30];
	v6 =	vmul.f32 $1.131370830e+01, v6;
	[tilespmem:s19+$0x1D0] =	vst v9  }
0x7a: {  	v21 =	vld [tilespmem:s19+$0x1B0];
	v0 =	vmul.f32 $1.131370830e+01, v10;
	[tilespmem:s19+$0xE0] =	vst v17  }
0x7b: {  	v10 =	vmul.f32 $1.131370830e+01, v11;
	v11 =	vld [tilespmem:s19+$0x130];
	[tilespmem:s19+$0xC0] =	vst v6  }
0x7c: {  	v9 =	vmul.f32 $1.131370830e+01, v13;
	v13 =	vld [tilespmem:s19+$0x140];
	[tilespmem:s19+$0x1E0] =	vst v0  }
0x7d: {  	[tilespmem:s19+$0x0] =	vst v10;
	v0 =	vmul.f32 $1.131370830e+01, v14;
	v10 =	vld [tilespmem:s19+$0x150]  }
0x7e: {  	[tilespmem:s19+$0xF0] =	vst v9;
	v9 =	vmul.f32 $1.131370830e+01, v15;
	v14 =	vld [tilespmem:s19+$0x1F0]  }
0x7f: {  	v19 =	vld [tilespmem:s19+$0x20];
	v8 =	vmul.f32 $1.131370830e+01, v1;
	[tilespmem:s19+$0x100] =	vst v0;
	v0 =	vmul.f32 $1.131370830e+01, v16  }
0x80: {  	v20 =	vld [tilespmem:s19+$0x10];
	v1 =	vmul.f32 $1.131370830e+01, v18;
	[tilespmem:s19+$0x110] =	vst v9;
	v9 =	vmul.f32 $1.131370830e+01, v11  }
0x81: {  	v6 =	vmul.f32 $1.131370830e+01, v21;
	v15 =	vld [tilespmem:s19+$0x50];
	[tilespmem:s19+$0x120] =	vst v0;
	v0 =	vmul.f32 $1.131370830e+01, v13  }
0x82: {  	v16 =	vld [tilespmem:s19+$0x40];
	v13 =	vmul.f32 $1.131370830e+01, v7;
	[tilespmem:s19+$0x130] =	vst v9;
	v7 =	vmul.f32 $1.131370830e+01, v10  }
0x83: {  	v11 =	vld [tilespmem:s19+$0x190];
	v9 =	vmul.f32 $1.131370830e+01, v2;
	[tilespmem:s19+$0x140] =	vst v0;
	v0 =	vmul.f32 $1.131370830e+01, v14  }
0x84: {  	[tilespmem:s19+$0x150] =	vst v7;
	v7 =	vmul.f32 $1.131370830e+01, v5;
	v5 =	vmul.f32 $1.131370830e+01, v12;
	v12 =	vld [tilespmem:s19+$0x1C0]  }
0x85: {  	v10 =	vmul.f32 $1.131370830e+01, v3;
	v14 =	vmul.f32 $1.131370830e+01, v4;
	[tilespmem:s19+$0xD0] =	vst v13;
	v13 =	vld [tilespmem:s19+$0x180]  }
0x86: {  	v2 =	vmul.f32 $1.131370830e+01, v15;
	v3 =	vmul.f32 $1.131370830e+01, v19;
	v15 =	vld [tilespmem:s19+$0x170];
	[tilespmem:s19+$0x1F0] =	vst v0  }
0x87: {  	s20 =	simm.s32 $0x0;
	s21 =	simm.s32 $0x4300;
	v4 =	vmul.f32 $1.131370830e+01, v20;
	v0 =	vmul.f32 $1.131370830e+01, v16;
	[tilespmem:s19+$0xB0] =	vst v14;
	v14 =	vld [tilespmem:s19+$0x160]  }
.LBB2_4:
0x88: {  	v16 =	vld [tilespmem:s21+$0x1A0];
	s20 =	sadd.s32 $0x4, s20;
	[tilespmem:s19+$0xA0] =	vst v8;
	v8 =	vmul.f32 $1.131370830e+01, v11  }
0x89: {  	v11 =	vld [tilespmem:s21+$0xA0];
	p0 =	slt.u32 s20, $0x7C;
	[tilespmem:s19+$0x90] =	vst v9;
	v9 =	vmul.f32 $1.131370830e+01, v12  }
0x8a: {  	v12 =	vld [tilespmem:s21+$0x90];
	[tilespmem:s19+$0x80] =	vst v10;
	v10 =	vmul.f32 $1.131370830e+01, v13  }
0x8b: {  	v13 =	vld [tilespmem:s21+$0x80];
	v15 =	vmul.f32 $1.131370830e+01, v15;
	[tilespmem:s19+$0x1C0] =	vst v9  }
0x8c: {  	v9 =	vld [tilespmem:s21+$0xB0];
	[tilespmem:s19+$0x70] =	vst v7;
	v7 =	vmul.f32 $1.131370830e+01, v14  }
0x8d: {  	v14 =	vld [tilespmem:s21+$0x70];
	v16 =	vmul.f32 $1.131370830e+01, v16;
	[tilespmem:s19+$0x180] =	vst v10  }
0x8e: {  	v10 =	vld [tilespmem:s21+$0xC0];
	[tilespmem:s19+$0x60] =	vst v5  }
0x8f: {  	v5 =	vld [tilespmem:s21+$0x60];
	[tilespmem:s19+$0x170] =	vst v15  }
0x90: {  	v15 =	vld [tilespmem:s21+$0xD0];
	[tilespmem:s19+$0x50] =	vst v2  }
0x91: {  	v2 =	vld [tilespmem:s21+$0xE0];
	[tilespmem:s19+$0x160] =	vst v7  }
0x92: {  	v7 =	vld [tilespmem:s21+$0x1D0];
	[tilespmem:s19+$0x40] =	vst v0  }
0x93: {  	v0 =	vld [tilespmem:s21+$0x1E0];
	[tilespmem:s19+$0x30] =	vst v1  }
0x94: {  	v1 =	vld [tilespmem:s21+$0x0];
	[tilespmem:s19+$0x20] =	vst v3  }
0x95: {  	v3 =	vld [tilespmem:s21+$0xF0];
	[tilespmem:s19+$0x190] =	vst v8  }
0x96: {  	v8 =	vld [tilespmem:s21+$0x100];
	[tilespmem:s19+$0x10] =	vst v4  }
0x97: {  	v4 =	vld [tilespmem:s21+$0x110];
	v7 =	vmul.f32 $1.131370830e+01, v7;
	[tilespmem:s19+$0x1B0] =	vst v6;
	s19 =	smov.u32 s21  }
0x98: {  	v6 =	vld [tilespmem:s21+$0x120];
	[tilespmem:s21+$0x1A0] =	vst v16;
	v0 =	vmul.f32 $1.131370830e+01, v0  }
0x99: {  	v16 =	vmul.f32 $1.131370830e+01, v2;
	v1 =	vmul.f32 $1.131370830e+01, v1;
	v2 =	vld [tilespmem:s21+$0x130];
	[tilespmem:s21+$0x1D0] =	vst v7  }
0x9a: {  	v15 =	vmul.f32 $1.131370830e+01, v15;
	v3 =	vmul.f32 $1.131370830e+01, v3;
	v7 =	vld [tilespmem:s21+$0x140];
	[tilespmem:s21+$0x1E0] =	vst v0  }
0x9b: {  	v17 =	vmul.f32 $1.131370830e+01, v10;
	[tilespmem:s21+$0x0] =	vst v1;
	v0 =	vmul.f32 $1.131370830e+01, v8;
	v1 =	vld [tilespmem:s21+$0x150]  }
0x9c: {  	v18 =	vmul.f32 $1.131370830e+01, v9;
	[tilespmem:s21+$0xF0] =	vst v3;
	v3 =	vmul.f32 $1.131370830e+01, v4;
	v4 =	vld [tilespmem:s21+$0x1F0]  }
0x9d: {  	v8 =	vmul.f32 $1.131370830e+01, v11;
	v19 =	vld [tilespmem:s21+$0x50];
	[tilespmem:s21+$0x100] =	vst v0;
	v0 =	vmul.f32 $1.131370830e+01, v6  }
0x9e: {  	v9 =	vmul.f32 $1.131370830e+01, v12;
	v6 =	vld [tilespmem:s21+$0x40];
	[tilespmem:s21+$0x110] =	vst v3;
	v2 =	vmul.f32 $1.131370830e+01, v2  }
0x9f: {  	v10 =	vmul.f32 $1.131370830e+01, v13;
	v3 =	vld [tilespmem:s21+$0x30];
	[tilespmem:s21+$0x120] =	vst v0;
	v0 =	vmul.f32 $1.131370830e+01, v7  }
0xa0: {  	v7 =	vmul.f32 $1.131370830e+01, v14;
	v13 =	vld [tilespmem:s21+$0x20];
	[tilespmem:s21+$0x130] =	vst v2;
	v1 =	vmul.f32 $1.131370830e+01, v1  }
0xa1: {  	v5 =	vmul.f32 $1.131370830e+01, v5;
	v14 =	vld [tilespmem:s21+$0x10];
	[tilespmem:s21+$0x140] =	vst v0;
	v4 =	vmul.f32 $1.131370830e+01, v4  }
0xa2: {  	v2 =	vmul.f32 $1.131370830e+01, v19;
	[tilespmem:s21+$0x150] =	vst v1;
	v19 =	vld [tilespmem:s21+$0x1B0]  }
.Ltmp1:
0xa3: {  	v0 =	vmul.f32 $1.131370830e+01, v6;
	v11 =	vld [tilespmem:s21+$0x190];
	[tilespmem:s21+$0x1F0] =	vst v4;
	(pc) =	sbr.rel @p0 .LBB2_4-.Ltmp1, $4  }
0xa4: {  	v1 =	vmul.f32 $1.131370830e+01, v3;
	[tilespmem:s21+$0xE0] =	vst v16;
	v12 =	vld [tilespmem:s21+$0x1C0]  }
0xa5: {  	v3 =	vmul.f32 $1.131370830e+01, v13;
	[tilespmem:s21+$0xD0] =	vst v15;
	v13 =	vld [tilespmem:s21+$0x180]  }
0xa6: {  	v4 =	vmul.f32 $1.131370830e+01, v14;
	[tilespmem:s21+$0xC0] =	vst v17;
	v15 =	vld [tilespmem:s21+$0x170]  }
0xa7: {  	s21 =	sadd.s32 $0x200, s21;
	[tilespmem:s19+$0xB0] =	vst v18;
	v14 =	vld [tilespmem:s19+$0x160];
	v6 =	vmul.f32 $1.131370830e+01, v19  }
0xa8: {  	[tilespmem:s19+$0xA0] =	vst v8  }
0xa9: {  	[tilespmem:s19+$0x90] =	vst v9  }
0xaa: {  	[tilespmem:s19+$0x80] =	vst v10  }
0xab: {  	[tilespmem:s19+$0x70] =	vst v7  }
0xac: {  	[tilespmem:s19+$0x60] =	vst v5  }
0xad: {  	[tilespmem:s19+$0x50] =	vst v2  }
0xae: {  	[tilespmem:s19+$0x40] =	vst v0  }
0xaf: {  	[tilespmem:s19+$0x30] =	vst v1  }
0xb0: {  	[tilespmem:s19+$0x20] =	vst v3  }
0xb1: {  	v63 =	vmul.f32 $1.131370830e+01, v11;
	[tilespmem:s19+$0x10] =	vst v4  }
0xb2: {  	v59 =	vmul.f32 $1.131370830e+01, v12;
	[tilespmem:s19+$0x1B0] =	vst v6  }
0xb3: {  	v60 =	vmul.f32 $1.131370830e+01, v13;
	[tilespmem:s19+$0x190] =	vst v63  }
0xb4: {  	[tilespmem:s19+$0x1C0] =	vst v59;
	v61 =	vmul.f32 $1.131370830e+01, v15  }
0xb5: {  	[tilespmem:s19+$0x180] =	vst v60;
	v62 =	vmul.f32 $1.131370830e+01, v14  }
0xb6: {  	[tilespmem:s19+$0x170] =	vst v61  }
0xb7: {  	s18 =	sadd.s32 $0x1, s18;
	[tilespmem:s19+$0x160] =	vst v62  }
0xb8: {  	[hbm4b:s7+s3] =	stream.linear.scatter [tilespmem:s13], [sflag:$0x4], $0x4000, $0x38;
	[tilespmem:$0x8100] =	vst v63  }
0xb9: {  	p0 =	sne.s32 s18, s8;
	_ =	swait.ge [sflag:s16], $0x4000  }
.Ltmp2:
0xba: {  	[sflag:s16] =	ssyncset.done $0x0;
	(pc) =	sbr.rel @p0 .LBB2_1-.Ltmp2, $4  }
0xbb: {  	[sflag:s16] =	ssyncadd.s32 $0xFFFFC000  }
0xbc: {  	_ =	swait.ge [sflag:s17], $0x4000  }
0xbd: {  	[sflag:s17] =	ssyncset.done $0x0  }
0xbe: {  	[sflag:s17] =	ssyncadd.s32 $0xFFFFC000  }
0xbf: {  	_ =	sfence.sel $0x180000  }
0xc0: {  	[bflag:$0x0] =	sbarrier.arrive $0xFFFF  }
0xc1: {  	p0 =	sne.s32 s1, $0x0;
	_ =	strace $0x90000047  }
0xc2: {  	s0 =	sadd.s32 @!p0 $0x100000, s0;
	[bflag:$0x2] =	sbarrier.arrive $0xFFFF  }
0xc3: {  	[sflag:s0] =	ssyncadd.tile.s32 @!p0 $0x1;
	_ =	shalt  }
.Lfunc_end2:
_tile_overlayer_lowered:
.L_overlay_start_2:
0xc4: {  	(tag) =	ssettag $0x2  }
0xc5: {  	s0 =	rddreg [dreg:$0x0];
	s2 =	stileid.u32  }
0xc6: {  	s1 =	rddreg [dreg:$0x1];
	p0 =	sne.s32 s2, $0x0  }
0xc7: {  	s3 =	rddreg [dreg:$0x2];
	[bflag:$0x3] =	sbarrier.arrive $0xFFFF;
	s2 =	simm.s32 @!p0 $0x1C07  }
0xc8: {  	[timem:s3], [sflag:s2] =	dma.local @!p0 [hbm:s0], s1  }
0xc9: {  	s0 =	simm.s32 @!p0 $0x7  }
0xca: {  	_ =	swait.ge @!p0 [sflag:s0], s1  }
0xcb: {  	s1 =	ssub.s32 @!p0 $0x0, s1;
	[sflag:s0] =	ssyncset.done @!p0 $0x0  }
0xcc: {  	[sflag:s0] =	ssyncadd.s32 @!p0 s1  }
0xcd: {  	[bflag:$0x3] =	sbarrier.arrive $0xFFFF  }
0xce: {  	_ =	shalt  }

</sc_bundles>
